<compile_context>
chip_gen: v7x
topology: tpu7x:2x2x1
jax: 0.10.2.dev20260603
libtpu: 0.0.44.dev20260713+nightly
codegen_flags: <defaults>
</compile_context>

<pallas_src>
import functools

import jax
import jax.numpy as jnp
import numpy as np
from jax import lax
from jax.experimental import pallas as pl
from jax.experimental.pallas import tpu as pltpu
from jax.experimental.pallas import tpu_sc as plsc

N = 10000
C = 128
HID = 64
HW = 4
P = HW * HW
EPS = 1e-5

NC = 2
NS = 16
NW = NC * NS

CH = 128
E_TOTAL = 320000
NCH = 2 * (-(-E_TOTAL // (NW * CH * 2)))
EPW = NCH * CH
EP = EPW * NW

SUP = 2
SUPCH = SUP * CH
NCHS = NCH // SUP

NPP = 10240
ZR = NPP // NS

_f32 = jnp.float32



def _enc_body(xt_ref, conf_ref, a1_ref, b1_ref, h_ref):
    nb = xt_ref.shape[0]
    x2 = xt_ref[...].reshape(nb * P, C)
    h = jnp.dot(x2, a1_ref[...], preferred_element_type=_f32) + b1_ref[...]
    h = jnp.maximum(h, 0.0)
    h3 = h.reshape(nb, P, HID) * conf_ref[...][:, :, None]
    h_ref[...] = h3.astype(jnp.bfloat16)


def _conv_body(h_ref, wb1_ref, bb1_ref, wb2_ref, bb2_ref, w0_ref,
               c2_ref, xw0_ref):
    hb = h_ref[...]
    c1 = jnp.dot(hb, wb1_ref[...], preferred_element_type=_f32) + bb1_ref[...]
    c1 = jnp.maximum(c1, 0.0)
    c2 = jnp.dot(c1.astype(jnp.bfloat16), wb2_ref[...],
                 preferred_element_type=_f32) + bb2_ref[...]
    c2 = jnp.maximum(c2, 0.0)
    c2_ref[...] = c2.astype(jnp.bfloat16)
    xn = c2[:, 0:HID]
    for p in range(1, P):
        xn = xn + c2[:, p * HID:(p + 1) * HID]
    xn = xn * (1.0 / P)
    xw0_ref[...] = jnp.dot(xn, w0_ref[...], preferred_element_type=_f32)


def _comb0_body(degp_ref, xw0_ref, dinv_ref, y0_ref):
    deg = degp_ref[0, 0:N, 0:1] + degp_ref[1, 0:N, 0:1] + 1.0
    dinv = lax.rsqrt(deg)
    dinv_ref[...] = dinv
    y0_ref[0:N, :] = dinv * xw0_ref[...]
    y0_ref[N:NPP, :] = jnp.zeros((NPP - N, HID), _f32)


def _comb1_body(zp_ref, y_ref, dinv_ref, w1_ref, b0_ref, y1_ref):
    dinv = dinv_ref[...]
    z = zp_ref[0, 0:N, :] + zp_ref[1, 0:N, :] + y_ref[0:N, :]
    h1 = jnp.maximum(dinv * z + b0_ref[...], 0.0)
    y1_ref[0:N, :] = dinv * jnp.dot(h1, w1_ref[...], preferred_element_type=_f32)
    y1_ref[N:NPP, :] = jnp.zeros((NPP - N, HID), _f32)


def _final_body(c2_ref, zp_ref, y_ref, dinv_ref, b1_ref, owt_ref, ob_ref,
                o_ref):
    nb = c2_ref.shape[0]
    dinv = dinv_ref[...]
    z = zp_ref[0] + zp_ref[1] + y_ref[...]
    g = jnp.maximum(dinv * z + b1_ref[...], 0.0)
    pg = jnp.dot(g.astype(jnp.bfloat16), owt_ref[...],
                 preferred_element_type=_f32) + ob_ref[...]
    hp = jnp.dot(c2_ref[...].reshape(nb * P, HID), owt_ref[...],
                 preferred_element_type=_f32)
    o = hp.reshape(nb, P, C) + pg[:, None, :]
    o_ref[...] = o.astype(jnp.bfloat16)



def _sc_degree_body(dst_hbm, ones_hbm, zeros_hbm, out_hbm, dst_v, ones_v, acc_sh):
    c = lax.axis_index("c")
    s = lax.axis_index("s")
    wid = c * NS + s
    pltpu.sync_copy(zeros_hbm, acc_sh.at[pl.ds(s * ZR, ZR)])
    pltpu.sync_copy(ones_hbm, ones_v)
    pltpu.sync_copy(dst_hbm.at[wid], dst_v)
    plsc.subcore_barrier()

    def body(j, carry):
        pltpu.sync_copy(ones_v, acc_sh.at[dst_v.at[j]], add=True)
        return carry

    lax.fori_loop(0, NCHS, body, 0)
    plsc.subcore_barrier()
    pltpu.sync_copy(acc_sh.at[pl.ds(s * ZR, ZR)],
                    out_hbm.at[c, pl.ds(s * ZR, ZR)])


def _sc_propagate_body(y_hbm, src_hbm, dst_hbm, zeros_hbm, out_hbm,
                       src_v, dst_v, rows_a, rows_b, acc_sh, sem_a, sem_b):
    c = lax.axis_index("c")
    s = lax.axis_index("s")
    wid = c * NS + s
    pltpu.sync_copy(zeros_hbm, acc_sh.at[pl.ds(s * ZR, ZR)])
    pltpu.sync_copy(src_hbm.at[wid], src_v)
    pltpu.sync_copy(dst_hbm.at[wid], dst_v)
    plsc.subcore_barrier()

    pltpu.async_copy(y_hbm.at[src_v.at[0]], rows_a, sem_a)

    def body(i, carry):
        j = i * 2
        pltpu.make_async_copy(y_hbm.at[src_v.at[j]], rows_a, sem_a).wait()
        pltpu.async_copy(y_hbm.at[src_v.at[j + 1]], rows_b, sem_b)
        pltpu.sync_copy(rows_a, acc_sh.at[dst_v.at[j]], add=True)
        pltpu.make_async_copy(y_hbm.at[src_v.at[j + 1]], rows_b, sem_b).wait()

        @pl.when(j + 2 < NCHS)
        def _():
            pltpu.async_copy(y_hbm.at[src_v.at[j + 2]], rows_a, sem_a)
        pltpu.sync_copy(rows_b, acc_sh.at[dst_v.at[j + 1]], add=True)
        return carry

    lax.fori_loop(0, NCHS // 2, body, 0)
    plsc.subcore_barrier()
    pltpu.sync_copy(acc_sh.at[pl.ds(s * ZR, ZR)],
                    out_hbm.at[c, pl.ds(s * ZR, ZR)])


@functools.cache
def _sc_kernels():
    mesh = plsc.VectorSubcoreMesh(core_axis_name="c", subcore_axis_name="s")
    degree = pl.kernel(
        _sc_degree_body,
        out_type=jax.ShapeDtypeStruct((NC, NPP, 16), _f32),
        mesh=mesh,
        compiler_params=pltpu.CompilerParams(use_tc_tiling_on_sc=False),
        scratch_types=[
            pltpu.VMEM((NCHS, SUPCH), jnp.int32),
            pltpu.VMEM((SUPCH, 16), _f32),
            pltpu.VMEM_SHARED((NPP, 16), _f32),
        ],
    )
    propagate = pl.kernel(
        _sc_propagate_body,
        out_type=jax.ShapeDtypeStruct((NC, NPP, HID), _f32),
        mesh=mesh,
        compiler_params=pltpu.CompilerParams(use_tc_tiling_on_sc=False),
        scratch_types=[
            pltpu.VMEM((NCHS, SUPCH), jnp.int32),
            pltpu.VMEM((NCHS, SUPCH), jnp.int32),
            pltpu.VMEM((SUPCH, HID), _f32),
            pltpu.VMEM((SUPCH, HID), _f32),
            pltpu.VMEM_SHARED((NPP, HID), _f32),
            pltpu.SemaphoreType.DMA,
            pltpu.SemaphoreType.DMA,
        ],
    )
    return degree, propagate



def _conv_mask() -> np.ndarray:
    m = np.zeros((P, P, 3, 3), np.float32)
    for io in range(HW):
        for jo in range(HW):
            for di in range(3):
                for dj in range(3):
                    ii, ji = io + di - 1, jo + dj - 1
                    if 0 <= ii < HW and 0 <= ji < HW:
                        m[ii * HW + ji, io * HW + jo, di, dj] = 1.0
    return m


_MASK = _conv_mask()


def kernel(x, edge_index, confidence_maps, fe_w, fe_b, fe_g, fe_beta,
           sp_w1, sp_b1, sp_g1, sp_beta1, sp_w2, sp_b2, sp_g2, sp_beta2,
           gnn_w0, gnn_b0, gnn_w1, gnn_b1, out_w, out_b):
    s = np.float32(1.0 / np.sqrt(1.0 + EPS))
    a1 = ((fe_g * s)[:, None] * fe_w).T.astype(jnp.bfloat16)
    b1 = (fe_g * s * fe_b + fe_beta).reshape(1, HID)
    w1f = (sp_g1 * s)[:, None, None, None] * sp_w1
    w2f = (sp_g2 * s)[:, None, None, None] * sp_w2
    mask = jnp.asarray(_MASK)
    wb1 = jnp.einsum('pqab,ocab->pcqo', mask, w1f).reshape(P * HID, P * HID).astype(jnp.bfloat16)
    wb2 = jnp.einsum('pqab,ocab->pcqo', mask, w2f).reshape(P * HID, P * HID).astype(jnp.bfloat16)
    bb1 = jnp.tile(sp_g1 * s * sp_b1 + sp_beta1, P).reshape(1, P * HID)
    bb2 = jnp.tile(sp_g2 * s * sp_b2 + sp_beta2, P).reshape(1, P * HID)
    owt = out_w.T.astype(jnp.bfloat16)
    ob = out_b.reshape(1, C)
    b0g = gnn_b0.reshape(1, HID)
    b1g = gnn_b1.reshape(1, HID)

    xt = jnp.transpose(x.reshape(N, C, P).astype(jnp.bfloat16), (0, 2, 1))
    conf = confidence_maps.reshape(N, P)

    pad = EP - E_TOTAL
    padrow = N + jnp.arange(pad, dtype=jnp.int32) % (NPP - N)
    srcp = jnp.concatenate([edge_index[0], padrow]).reshape(NW, NCHS, SUPCH)
    dstp = jnp.concatenate([edge_index[1], padrow]).reshape(NW, NCHS, SUPCH)

    zeros16 = jnp.zeros((ZR, 16), _f32)
    zeros64 = jnp.zeros((ZR, HID), _f32)
    ones16 = jnp.ones((SUPCH, 16), _f32)

    nba = 400
    h_enc = pl.pallas_call(
        _enc_body,
        grid=(N // nba,),
        in_specs=[
            pl.BlockSpec((nba, P, C), lambda i: (i, 0, 0)),
            pl.BlockSpec((nba, P), lambda i: (i, 0)),
            pl.BlockSpec((C, HID), lambda i: (0, 0)),
            pl.BlockSpec((1, HID), lambda i: (0, 0)),
        ],
        out_specs=pl.BlockSpec((nba, P, HID), lambda i: (i, 0, 0)),
        out_shape=jax.ShapeDtypeStruct((N, P, HID), jnp.bfloat16),
    )(xt, conf, a1, b1)

    h_flat = h_enc.reshape(N, P * HID)
    nbb = 400
    c2, xw0 = pl.pallas_call(
        _conv_body,
        grid=(N // nbb,),
        in_specs=[
            pl.BlockSpec((nbb, P * HID), lambda i: (i, 0)),
            pl.BlockSpec((P * HID, P * HID), lambda i: (0, 0)),
            pl.BlockSpec((1, P * HID), lambda i: (0, 0)),
            pl.BlockSpec((P * HID, P * HID), lambda i: (0, 0)),
            pl.BlockSpec((1, P * HID), lambda i: (0, 0)),
            pl.BlockSpec((HID, HID), lambda i: (0, 0)),
        ],
        out_specs=[
            pl.BlockSpec((nbb, P * HID), lambda i: (i, 0)),
            pl.BlockSpec((nbb, HID), lambda i: (i, 0)),
        ],
        out_shape=[
            jax.ShapeDtypeStruct((N, P * HID), jnp.bfloat16),
            jax.ShapeDtypeStruct((N, HID), _f32),
        ],
    )(h_flat, wb1, bb1, wb2, bb2, gnn_w0)

    _sc_degree, _sc_propagate = _sc_kernels()
    degp = _sc_degree(dstp, ones16, zeros16)

    dinv, y0 = pl.pallas_call(
        _comb0_body,
        out_shape=[
            jax.ShapeDtypeStruct((N, 1), _f32),
            jax.ShapeDtypeStruct((NPP, HID), _f32),
        ],
    )(degp, xw0)

    zp0 = _sc_propagate(y0, srcp, dstp, zeros64)

    y1 = pl.pallas_call(
        _comb1_body,
        out_shape=jax.ShapeDtypeStruct((NPP, HID), _f32),
    )(zp0, y0, dinv, gnn_w1, b0g)

    zp1 = _sc_propagate(y1, srcp, dstp, zeros64)

    c2r = c2.reshape(N, P, HID)
    nbd = 400
    o3 = pl.pallas_call(
        _final_body,
        grid=(N // nbd,),
        in_specs=[
            pl.BlockSpec((nbd, P, HID), lambda i: (i, 0, 0)),
            pl.BlockSpec((NC, nbd, HID), lambda i: (0, i, 0)),
            pl.BlockSpec((nbd, HID), lambda i: (i, 0)),
            pl.BlockSpec((nbd, 1), lambda i: (i, 0)),
            pl.BlockSpec((1, HID), lambda i: (0, 0)),
            pl.BlockSpec((HID, C), lambda i: (0, 0)),
            pl.BlockSpec((1, C), lambda i: (0, 0)),
        ],
        out_specs=pl.BlockSpec((nbd, P, C), lambda i: (i, 0, 0)),
        out_shape=jax.ShapeDtypeStruct((N, P, C), jnp.bfloat16),
    )(c2r, zp1, y1, dinv, b1g, owt, ob)

    return jnp.transpose(o3, (0, 2, 1)).astype(_f32).reshape(N, C, HW, HW)

# --- scband reference (transcript-rebuilt; emitter-appended) ---
"""Pipeline reference for scband-confidence-gnnfusion-76802605187252 (READ-ONLY COPY).

The authoritative reference and input builder live on the scoring server;
editing this copy changes nothing except your own understanding.
"""

import jax, jax.numpy as jnp
import numpy as np

N = 10000
E = 320000
C = 128
HID = 64
HW = 4
EPS = 1e-5


def setup_inputs(seed: int = 0) -> dict:
    key = jax.random.key(seed)
    ks = jax.random.split(key, 24)
    x = jax.random.normal(ks[0], (N, C, HW, HW), dtype=jnp.float32)
    edge_index = jax.random.randint(ks[1], (2, E), 0, N, dtype=jnp.int32)
    confidence_maps = jax.random.uniform(ks[2], (N, 1, HW, HW), dtype=jnp.float32)
    fe_w = jax.random.normal(ks[3], (HID, C), dtype=jnp.float32) * 0.05
    fe_b = jax.random.normal(ks[4], (HID,), dtype=jnp.float32) * 0.05
    fe_g = 1.0 + 0.1 * jax.random.normal(ks[5], (HID,), dtype=jnp.float32)
    fe_beta = 0.1 * jax.random.normal(ks[6], (HID,), dtype=jnp.float32)
    sp_w1 = jax.random.normal(ks[7], (HID, HID, 3, 3), dtype=jnp.float32) * 0.05
    sp_b1 = jax.random.normal(ks[8], (HID,), dtype=jnp.float32) * 0.05
    sp_g1 = 1.0 + 0.1 * jax.random.normal(ks[9], (HID,), dtype=jnp.float32)
    sp_beta1 = 0.1 * jax.random.normal(ks[10], (HID,), dtype=jnp.float32)
    sp_w2 = jax.random.normal(ks[11], (HID, HID, 3, 3), dtype=jnp.float32) * 0.05
    sp_b2 = jax.random.normal(ks[12], (HID,), dtype=jnp.float32) * 0.05
    sp_g2 = 1.0 + 0.1 * jax.random.normal(ks[13], (HID,), dtype=jnp.float32)
    sp_beta2 = 0.1 * jax.random.normal(ks[14], (HID,), dtype=jnp.float32)
    gnn_w0 = jax.random.normal(ks[15], (HID, HID), dtype=jnp.float32) * 0.1
    gnn_b0 = jax.random.normal(ks[16], (HID,), dtype=jnp.float32) * 0.05
    gnn_w1 = jax.random.normal(ks[17], (HID, HID), dtype=jnp.float32) * 0.1
    gnn_b1 = jax.random.normal(ks[18], (HID,), dtype=jnp.float32) * 0.05
    out_w = jax.random.normal(ks[19], (C, HID), dtype=jnp.float32) * 0.05
    out_b = jax.random.normal(ks[20], (C,), dtype=jnp.float32) * 0.05
    return {"x": x, "edge_index": edge_index, "confidence_maps": confidence_maps,
            "fe_w": fe_w, "fe_b": fe_b, "fe_g": fe_g, "fe_beta": fe_beta,
            "sp_w1": sp_w1, "sp_b1": sp_b1, "sp_g1": sp_g1, "sp_beta1": sp_beta1,
            "sp_w2": sp_w2, "sp_b2": sp_b2, "sp_g2": sp_g2, "sp_beta2": sp_beta2,
            "gnn_w0": gnn_w0, "gnn_b0": gnn_b0, "gnn_w1": gnn_w1, "gnn_b1": gnn_b1,
            "out_w": out_w, "out_b": out_b}


def _bn(h, g, b):
    # BatchNorm2d in eval mode: running_mean=0, running_var=1
    return g[None, :, None, None] * h / jnp.sqrt(1.0 + EPS) + b[None, :, None, None]


def _conv3x3(h, w, b):
    out = jax.lax.conv_general_dilated(h, w, (1, 1), 'SAME',
                                       dimension_numbers=('NCHW', 'OIHW', 'NCHW'))
    return out + b[None, :, None, None]


def _gcn(x, src, dst, W, b):
    # torch_geometric GCNConv: linear, add self-loops, symmetric normalization, scatter-add
    h = x @ W
    loop = jnp.arange(N, dtype=src.dtype)
    s = jnp.concatenate([src, loop])
    d = jnp.concatenate([dst, loop])
    deg = jax.ops.segment_sum(jnp.ones(s.shape[0], dtype=h.dtype), d, num_segments=N)
    dinv = jnp.where(deg > 0, jax.lax.rsqrt(deg), 0.0)
    norm = dinv[s] * dinv[d]
    msg = h[s] * norm[:, None]
    out = jax.ops.segment_sum(msg, d, num_segments=N)
    return out + b


def reference(x, edge_index, confidence_maps, fe_w, fe_b, fe_g, fe_beta,
              sp_w1, sp_b1, sp_g1, sp_beta1, sp_w2, sp_b2, sp_g2, sp_beta2,
              gnn_w0, gnn_b0, gnn_w1, gnn_b1, out_w, out_b):
    # feature_encoder: 1x1 conv + BN + ReLU
    h = jnp.einsum('nchw,oc->nohw', x, fe_w) + fe_b[None, :, None, None]
    h = jax.nn.relu(_bn(h, fe_g, fe_beta))
    # confidence gating (shapes already match, no interpolation needed)
    h = h * confidence_maps
    # spatial_processor: two 3x3 conv + BN + ReLU
    h = jax.nn.relu(_bn(_conv3x3(h, sp_w1, sp_b1), sp_g1, sp_beta1))
    h = jax.nn.relu(_bn(_conv3x3(h, sp_w2, sp_b2), sp_g2, sp_beta2))
    # adaptive_avg_pool2d(1) -> node features
    x_node = jnp.mean(h, axis=(2, 3))
    src = edge_index[0]
    dst = edge_index[1]
    g = jax.nn.relu(_gcn(x_node, src, dst, gnn_w0, gnn_b0))
    g = jax.nn.relu(_gcn(g, src, dst, gnn_w1, gnn_b1))
    # broadcast-add GNN output back onto spatial features
    comb = g[:, :, None, None] + h
    # output_projector: 1x1 conv
    out = jnp.einsum('nchw,oc->nohw', comb, out_w) + out_b[None, :, None, None]
    return out

if __name__ == "__main__":
    import jax
    _d = setup_inputs()
    print(jax.jit(kernel)(*tuple(_d.values())))

</pallas_src>

<mosaic_0001>
#map = affine_map<(d0, d1) -> (0, 0)>
#map1 = affine_map<(d0, d1) -> (0, 0, 0)>
module attributes {stable_mosaic.version = 14 : i64} {
  func.func @_sc_propagate_body(%arg0: i32, %arg1: i32, %arg2: memref<10240x64xf32, #tpu.memory_space<hbm>>, %arg3: memref<32x40x256xi32, #tpu.memory_space<hbm>>, %arg4: memref<32x40x256xi32, #tpu.memory_space<hbm>>, %arg5: memref<640x64xf32, #tpu.memory_space<hbm>>, %arg6: memref<2x10240x64xf32, #tpu.memory_space<hbm>>, %arg7: memref<40x256xi32, #tpu.memory_space<vmem>>, %arg8: memref<40x256xi32, #tpu.memory_space<vmem>>, %arg9: memref<256x64xf32, #tpu.memory_space<vmem>>, %arg10: memref<256x64xf32, #tpu.memory_space<vmem>>, %arg11: memref<10240x64xf32, #tpu.memory_space<vmem_shared>>, %arg12: memref<!tpu.dma_semaphore, #tpu.memory_space<semaphore_mem>>, %arg13: memref<!tpu.dma_semaphore, #tpu.memory_space<semaphore_mem>>) attributes {dimension_semantics = [#tpu.dimension_semantics<core_parallel>, #tpu.dimension_semantics<subcore_parallel>], iteration_bounds = array<i64: 2, 16>, scalar_prefetch = 0 : i64, scratch_operands = 7 : i64, tpu.core_type = #tpu.core_type<sc_vector_subcore>, window_params = [{transform_indices = #map}, {transform_indices = #map1}, {transform_indices = #map1}, {transform_indices = #map}, {transform_indices = #map1}]} {
    %mul3A = arith.constant 16 : i32
    %mul3A_0 = arith.muli %arg0, %mul3A : i32
    %add3A = arith.addi %mul3A_0, %arg1 : i32
    %mul3A_1 = arith.constant 640 : i32
    %mul3A_2 = arith.muli %arg1, %mul3A_1 : i32
    "tpu.region"() ({
      %run_scoped3A = tpu.sem_alloc : memref<!tpu.dma_semaphore, #tpu.memory_space<semaphore_mem>>
      %dma_start3A_19 = arith.constant 0 : i32
      %dma_start3A_20 = tpu.memref_slice %arg11[%mul3A_2, %dma_start3A_19] : memref<10240x64xf32, #tpu.memory_space<vmem_shared>> -> memref<640x64xf32, #tpu.memory_space<vmem_shared>>
      tpu.enqueue_dma source(%arg5 : memref<640x64xf32, #tpu.memory_space<hbm>>) target(%dma_start3A_20 : memref<640x64xf32, #tpu.memory_space<vmem_shared>>) target_semaphore(%run_scoped3A : memref<!tpu.dma_semaphore, #tpu.memory_space<semaphore_mem>>)
      %dma_wait3A = arith.constant 0 : i32
      %dma_wait3A_21 = tpu.memref_slice %arg11[%mul3A_2, %dma_wait3A] : memref<10240x64xf32, #tpu.memory_space<vmem_shared>> -> memref<640x64xf32, #tpu.memory_space<vmem_shared>>
      tpu.wait_dma2 semaphore(%run_scoped3A : memref<!tpu.dma_semaphore, #tpu.memory_space<semaphore_mem>>) src(%arg5 : memref<640x64xf32, #tpu.memory_space<hbm>>) dst(%dma_wait3A_21 : memref<640x64xf32, #tpu.memory_space<vmem_shared>>)
      tpu.yield
    }) : () -> ()
    "tpu.region"() ({
      %run_scoped3A = tpu.sem_alloc : memref<!tpu.dma_semaphore, #tpu.memory_space<semaphore_mem>>
      %dma_start3A_19 = arith.constant 0 : i32
      %dma_start3A_20 = arith.constant 0 : i32
      %dma_start3A_21 = tpu.memref_slice %arg3[%add3A, %dma_start3A_19, %dma_start3A_20] : memref<32x40x256xi32, #tpu.memory_space<hbm>> -> memref<1x40x256xi32, #tpu.memory_space<hbm>>
      %dma_start3A_22 = tpu.memref_squeeze %dma_start3A_21 : memref<1x40x256xi32, #tpu.memory_space<hbm>> -> memref<40x256xi32, #tpu.memory_space<hbm>>
      %dma_start3A_23 = arith.constant 0 : i32
      %dma_start3A_24 = arith.constant 0 : i32
      %dma_start3A_25 = tpu.memref_slice %arg3[%add3A, %dma_start3A_23, %dma_start3A_24] : memref<32x40x256xi32, #tpu.memory_space<hbm>> -> memref<1x40x256xi32, #tpu.memory_space<hbm>>
      %dma_start3A_26 = tpu.memref_squeeze %dma_start3A_25 : memref<1x40x256xi32, #tpu.memory_space<hbm>> -> memref<40x256xi32, #tpu.memory_space<hbm>>
      tpu.enqueue_dma source(%dma_start3A_26 : memref<40x256xi32, #tpu.memory_space<hbm>>) target(%arg7 : memref<40x256xi32, #tpu.memory_space<vmem>>) target_semaphore(%run_scoped3A : memref<!tpu.dma_semaphore, #tpu.memory_space<semaphore_mem>>)
      %dma_wait3A = arith.constant 0 : i32
      %dma_wait3A_27 = arith.constant 0 : i32
      %dma_wait3A_28 = tpu.memref_slice %arg3[%add3A, %dma_wait3A, %dma_wait3A_27] : memref<32x40x256xi32, #tpu.memory_space<hbm>> -> memref<1x40x256xi32, #tpu.memory_space<hbm>>
      %dma_wait3A_29 = tpu.memref_squeeze %dma_wait3A_28 : memref<1x40x256xi32, #tpu.memory_space<hbm>> -> memref<40x256xi32, #tpu.memory_space<hbm>>
      %dma_wait3A_30 = arith.constant 0 : i32
      %dma_wait3A_31 = arith.constant 0 : i32
      %dma_wait3A_32 = tpu.memref_slice %arg3[%add3A, %dma_wait3A_30, %dma_wait3A_31] : memref<32x40x256xi32, #tpu.memory_space<hbm>> -> memref<1x40x256xi32, #tpu.memory_space<hbm>>
      %dma_wait3A_33 = tpu.memref_squeeze %dma_wait3A_32 : memref<1x40x256xi32, #tpu.memory_space<hbm>> -> memref<40x256xi32, #tpu.memory_space<hbm>>
      tpu.wait_dma2 semaphore(%run_scoped3A : memref<!tpu.dma_semaphore, #tpu.memory_space<semaphore_mem>>) src(%dma_wait3A_33 : memref<40x256xi32, #tpu.memory_space<hbm>>) dst(%arg7 : memref<40x256xi32, #tpu.memory_space<vmem>>)
      tpu.yield
    }) : () -> ()
    "tpu.region"() ({
      %run_scoped3A = tpu.sem_alloc : memref<!tpu.dma_semaphore, #tpu.memory_space<semaphore_mem>>
      %dma_start3A_19 = arith.constant 0 : i32
      %dma_start3A_20 = arith.constant 0 : i32
      %dma_start3A_21 = tpu.memref_slice %arg4[%add3A, %dma_start3A_19, %dma_start3A_20] : memref<32x40x256xi32, #tpu.memory_space<hbm>> -> memref<1x40x256xi32, #tpu.memory_space<hbm>>
      %dma_start3A_22 = tpu.memref_squeeze %dma_start3A_21 : memref<1x40x256xi32, #tpu.memory_space<hbm>> -> memref<40x256xi32, #tpu.memory_space<hbm>>
      %dma_start3A_23 = arith.constant 0 : i32
      %dma_start3A_24 = arith.constant 0 : i32
      %dma_start3A_25 = tpu.memref_slice %arg4[%add3A, %dma_start3A_23, %dma_start3A_24] : memref<32x40x256xi32, #tpu.memory_space<hbm>> -> memref<1x40x256xi32, #tpu.memory_space<hbm>>
      %dma_start3A_26 = tpu.memref_squeeze %dma_start3A_25 : memref<1x40x256xi32, #tpu.memory_space<hbm>> -> memref<40x256xi32, #tpu.memory_space<hbm>>
      tpu.enqueue_dma source(%dma_start3A_26 : memref<40x256xi32, #tpu.memory_space<hbm>>) target(%arg8 : memref<40x256xi32, #tpu.memory_space<vmem>>) target_semaphore(%run_scoped3A : memref<!tpu.dma_semaphore, #tpu.memory_space<semaphore_mem>>)
      %dma_wait3A = arith.constant 0 : i32
      %dma_wait3A_27 = arith.constant 0 : i32
      %dma_wait3A_28 = tpu.memref_slice %arg4[%add3A, %dma_wait3A, %dma_wait3A_27] : memref<32x40x256xi32, #tpu.memory_space<hbm>> -> memref<1x40x256xi32, #tpu.memory_space<hbm>>
      %dma_wait3A_29 = tpu.memref_squeeze %dma_wait3A_28 : memref<1x40x256xi32, #tpu.memory_space<hbm>> -> memref<40x256xi32, #tpu.memory_space<hbm>>
      %dma_wait3A_30 = arith.constant 0 : i32
      %dma_wait3A_31 = arith.constant 0 : i32
      %dma_wait3A_32 = tpu.memref_slice %arg4[%add3A, %dma_wait3A_30, %dma_wait3A_31] : memref<32x40x256xi32, #tpu.memory_space<hbm>> -> memref<1x40x256xi32, #tpu.memory_space<hbm>>
      %dma_wait3A_33 = tpu.memref_squeeze %dma_wait3A_32 : memref<1x40x256xi32, #tpu.memory_space<hbm>> -> memref<40x256xi32, #tpu.memory_space<hbm>>
      tpu.wait_dma2 semaphore(%run_scoped3A : memref<!tpu.dma_semaphore, #tpu.memory_space<semaphore_mem>>) src(%dma_wait3A_33 : memref<40x256xi32, #tpu.memory_space<hbm>>) dst(%arg8 : memref<40x256xi32, #tpu.memory_space<vmem>>)
      tpu.yield
    }) : () -> ()
    %barrier3A = arith.constant 0 : index
    tpu.barrier barrier_id(%barrier3A)
    %dma_start3A = arith.constant 0 : i32
    %dma_start3A_3 = arith.constant 0 : i32
    %dma_start3A_4 = tpu.memref_slice %arg7[%dma_start3A, %dma_start3A_3] : memref<40x256xi32, #tpu.memory_space<vmem>> -> memref<1x256xi32, #tpu.memory_space<vmem>>
    %dma_start3A_5 = tpu.memref_squeeze %dma_start3A_4 : memref<1x256xi32, #tpu.memory_space<vmem>> -> memref<256xi32, #tpu.memory_space<vmem>>
    %dma_start3A_6 = arith.constant 0 : i32
    %dma_start3A_7 = arith.constant 0 : i32
    %dma_start3A_8 = tpu.memref_slice %arg2[%dma_start3A_6, %dma_start3A_7] : memref<10240x64xf32, #tpu.memory_space<hbm>> -> memref<10240x64xf32, #tpu.memory_space<hbm>>
    tpu.enqueue_indirect_dma source(%dma_start3A_8 : memref<10240x64xf32, #tpu.memory_space<hbm>>) target(%arg9 : memref<256x64xf32, #tpu.memory_space<vmem>>) offsets(%dma_start3A_5 : memref<256xi32, #tpu.memory_space<vmem>>) semaphore(%arg12 : memref<!tpu.dma_semaphore, #tpu.memory_space<semaphore_mem>>)
    %scan3A = arith.constant 0 : i32
    %scan3A_9 = arith.constant 0 : i32
    %scan3A_10 = arith.constant 20 : i32
    %scan3A_11 = arith.addi %scan3A_9, %scan3A_10 : i32
    %scan3A_12 = arith.constant 1 : i32
    scf.for %scan3A_19 = %scan3A_9 to %scan3A_11 step %scan3A_12  : i32 {
      %mul3A_20 = arith.constant 2 : i32
      %mul3A_21 = arith.muli %scan3A_19, %mul3A_20 : i32
      %dma_wait3A = arith.constant 0 : i32
      %dma_wait3A_22 = tpu.memref_slice %arg7[%mul3A_21, %dma_wait3A] : memref<40x256xi32, #tpu.memory_space<vmem>> -> memref<1x256xi32, #tpu.memory_space<vmem>>
      %dma_wait3A_23 = tpu.memref_squeeze %dma_wait3A_22 : memref<1x256xi32, #tpu.memory_space<vmem>> -> memref<256xi32, #tpu.memory_space<vmem>>
      %dma_wait3A_24 = arith.constant 0 : i32
      %dma_wait3A_25 = arith.constant 0 : i32
      %dma_wait3A_26 = tpu.memref_slice %arg2[%dma_wait3A_24, %dma_wait3A_25] : memref<10240x64xf32, #tpu.memory_space<hbm>> -> memref<10240x64xf32, #tpu.memory_space<hbm>>
      tpu.wait_indirect_dma semaphore(%arg12 : memref<!tpu.dma_semaphore, #tpu.memory_space<semaphore_mem>>) src(%dma_wait3A_26 : memref<10240x64xf32, #tpu.memory_space<hbm>>) dst(%arg9 : memref<256x64xf32, #tpu.memory_space<vmem>>)
      %add3A_27 = arith.constant 1 : i32
      %add3A_28 = arith.addi %mul3A_21, %add3A_27 : i32
      %dma_start3A_29 = arith.constant 0 : i32
      %dma_start3A_30 = tpu.memref_slice %arg7[%add3A_28, %dma_start3A_29] : memref<40x256xi32, #tpu.memory_space<vmem>> -> memref<1x256xi32, #tpu.memory_space<vmem>>
      %dma_start3A_31 = tpu.memref_squeeze %dma_start3A_30 : memref<1x256xi32, #tpu.memory_space<vmem>> -> memref<256xi32, #tpu.memory_space<vmem>>
      %dma_start3A_32 = arith.constant 0 : i32
      %dma_start3A_33 = arith.constant 0 : i32
      %dma_start3A_34 = tpu.memref_slice %arg2[%dma_start3A_32, %dma_start3A_33] : memref<10240x64xf32, #tpu.memory_space<hbm>> -> memref<10240x64xf32, #tpu.memory_space<hbm>>
      tpu.enqueue_indirect_dma source(%dma_start3A_34 : memref<10240x64xf32, #tpu.memory_space<hbm>>) target(%arg10 : memref<256x64xf32, #tpu.memory_space<vmem>>) offsets(%dma_start3A_31 : memref<256xi32, #tpu.memory_space<vmem>>) semaphore(%arg13 : memref<!tpu.dma_semaphore, #tpu.memory_space<semaphore_mem>>)
      "tpu.region"() ({
        %run_scoped3A = tpu.sem_alloc : memref<!tpu.dma_semaphore, #tpu.memory_space<semaphore_mem>>
        %dma_start3A_49 = arith.constant 0 : i32
        %dma_start3A_50 = tpu.memref_slice %arg8[%mul3A_21, %dma_start3A_49] : memref<40x256xi32, #tpu.memory_space<vmem>> -> memref<1x256xi32, #tpu.memory_space<vmem>>
        %dma_start3A_51 = tpu.memref_squeeze %dma_start3A_50 : memref<1x256xi32, #tpu.memory_space<vmem>> -> memref<256xi32, #tpu.memory_space<vmem>>
        %dma_start3A_52 = arith.constant 0 : i32
        %dma_start3A_53 = arith.constant 0 : i32
        %dma_start3A_54 = tpu.memref_slice %arg11[%dma_start3A_52, %dma_start3A_53] : memref<10240x64xf32, #tpu.memory_space<vmem_shared>> -> memref<10240x64xf32, #tpu.memory_space<vmem_shared>>
        tpu.enqueue_indirect_dma source(%arg9 : memref<256x64xf32, #tpu.memory_space<vmem>>) target(%dma_start3A_54 : memref<10240x64xf32, #tpu.memory_space<vmem_shared>>) offsets(%dma_start3A_51 : memref<256xi32, #tpu.memory_space<vmem>>) semaphore(%run_scoped3A : memref<!tpu.dma_semaphore, #tpu.memory_space<semaphore_mem>>) {add = true}
        %dma_wait3A_55 = arith.constant 0 : i32
        %dma_wait3A_56 = tpu.memref_slice %arg8[%mul3A_21, %dma_wait3A_55] : memref<40x256xi32, #tpu.memory_space<vmem>> -> memref<1x256xi32, #tpu.memory_space<vmem>>
        %dma_wait3A_57 = tpu.memref_squeeze %dma_wait3A_56 : memref<1x256xi32, #tpu.memory_space<vmem>> -> memref<256xi32, #tpu.memory_space<vmem>>
        %dma_wait3A_58 = arith.constant 0 : i32
        %dma_wait3A_59 = arith.constant 0 : i32
        %dma_wait3A_60 = tpu.memref_slice %arg11[%dma_wait3A_58, %dma_wait3A_59] : memref<10240x64xf32, #tpu.memory_space<vmem_shared>> -> memref<10240x64xf32, #tpu.memory_space<vmem_shared>>
        tpu.wait_indirect_dma semaphore(%run_scoped3A : memref<!tpu.dma_semaphore, #tpu.memory_space<semaphore_mem>>) src(%arg9 : memref<256x64xf32, #tpu.memory_space<vmem>>) dst(%dma_wait3A_60 : memref<10240x64xf32, #tpu.memory_space<vmem_shared>>)
        tpu.yield
      }) : () -> ()
      %add3A_35 = arith.constant 1 : i32
      %add3A_36 = arith.addi %mul3A_21, %add3A_35 : i32
      %dma_wait3A_37 = arith.constant 0 : i32
      %dma_wait3A_38 = tpu.memref_slice %arg7[%add3A_36, %dma_wait3A_37] : memref<40x256xi32, #tpu.memory_space<vmem>> -> memref<1x256xi32, #tpu.memory_space<vmem>>
      %dma_wait3A_39 = tpu.memref_squeeze %dma_wait3A_38 : memref<1x256xi32, #tpu.memory_space<vmem>> -> memref<256xi32, #tpu.memory_space<vmem>>
      %dma_wait3A_40 = arith.constant 0 : i32
      %dma_wait3A_41 = arith.constant 0 : i32
      %dma_wait3A_42 = tpu.memref_slice %arg2[%dma_wait3A_40, %dma_wait3A_41] : memref<10240x64xf32, #tpu.memory_space<hbm>> -> memref<10240x64xf32, #tpu.memory_space<hbm>>
      tpu.wait_indirect_dma semaphore(%arg13 : memref<!tpu.dma_semaphore, #tpu.memory_space<semaphore_mem>>) src(%dma_wait3A_42 : memref<10240x64xf32, #tpu.memory_space<hbm>>) dst(%arg10 : memref<256x64xf32, #tpu.memory_space<vmem>>)
      %add3A_43 = arith.constant 2 : i32
      %add3A_44 = arith.addi %mul3A_21, %add3A_43 : i32
      %lt3A = arith.constant 40 : i32
      %lt3A_45 = arith.cmpi slt, %add3A_44, %lt3A : i32
      %convert_element_type3A = arith.extui %lt3A_45 : i1 to i32
      %cond3A = arith.constant 0 : i32
      %cond3A_46 = arith.cmpi ne, %convert_element_type3A, %cond3A : i32
      scf.if %cond3A_46 {
        %add3A_49 = arith.constant 2 : i32
        %add3A_50 = arith.addi %mul3A_21, %add3A_49 : i32
        %dma_start3A_51 = arith.constant 0 : i32
        %dma_start3A_52 = tpu.memref_slice %arg7[%add3A_50, %dma_start3A_51] : memref<40x256xi32, #tpu.memory_space<vmem>> -> memref<1x256xi32, #tpu.memory_space<vmem>>
        %dma_start3A_53 = tpu.memref_squeeze %dma_start3A_52 : memref<1x256xi32, #tpu.memory_space<vmem>> -> memref<256xi32, #tpu.memory_space<vmem>>
        %dma_start3A_54 = arith.constant 0 : i32
        %dma_start3A_55 = arith.constant 0 : i32
        %dma_start3A_56 = tpu.memref_slice %arg2[%dma_start3A_54, %dma_start3A_55] : memref<10240x64xf32, #tpu.memory_space<hbm>> -> memref<10240x64xf32, #tpu.memory_space<hbm>>
        tpu.enqueue_indirect_dma source(%dma_start3A_56 : memref<10240x64xf32, #tpu.memory_space<hbm>>) target(%arg9 : memref<256x64xf32, #tpu.memory_space<vmem>>) offsets(%dma_start3A_53 : memref<256xi32, #tpu.memory_space<vmem>>) semaphore(%arg12 : memref<!tpu.dma_semaphore, #tpu.memory_space<semaphore_mem>>)
      } else {
      }
      %add3A_47 = arith.constant 1 : i32
      %add3A_48 = arith.addi %mul3A_21, %add3A_47 : i32
      "tpu.region"() ({
        %run_scoped3A = tpu.sem_alloc : memref<!tpu.dma_semaphore, #tpu.memory_space<semaphore_mem>>
        %dma_start3A_49 = arith.constant 0 : i32
        %dma_start3A_50 = tpu.memref_slice %arg8[%add3A_48, %dma_start3A_49] : memref<40x256xi32, #tpu.memory_space<vmem>> -> memref<1x256xi32, #tpu.memory_space<vmem>>
        %dma_start3A_51 = tpu.memref_squeeze %dma_start3A_50 : memref<1x256xi32, #tpu.memory_space<vmem>> -> memref<256xi32, #tpu.memory_space<vmem>>
        %dma_start3A_52 = arith.constant 0 : i32
        %dma_start3A_53 = arith.constant 0 : i32
        %dma_start3A_54 = tpu.memref_slice %arg11[%dma_start3A_52, %dma_start3A_53] : memref<10240x64xf32, #tpu.memory_space<vmem_shared>> -> memref<10240x64xf32, #tpu.memory_space<vmem_shared>>
        tpu.enqueue_indirect_dma source(%arg10 : memref<256x64xf32, #tpu.memory_space<vmem>>) target(%dma_start3A_54 : memref<10240x64xf32, #tpu.memory_space<vmem_shared>>) offsets(%dma_start3A_51 : memref<256xi32, #tpu.memory_space<vmem>>) semaphore(%run_scoped3A : memref<!tpu.dma_semaphore, #tpu.memory_space<semaphore_mem>>) {add = true}
        %dma_wait3A_55 = arith.constant 0 : i32
        %dma_wait3A_56 = tpu.memref_slice %arg8[%add3A_48, %dma_wait3A_55] : memref<40x256xi32, #tpu.memory_space<vmem>> -> memref<1x256xi32, #tpu.memory_space<vmem>>
        %dma_wait3A_57 = tpu.memref_squeeze %dma_wait3A_56 : memref<1x256xi32, #tpu.memory_space<vmem>> -> memref<256xi32, #tpu.memory_space<vmem>>
        %dma_wait3A_58 = arith.constant 0 : i32
        %dma_wait3A_59 = arith.constant 0 : i32
        %dma_wait3A_60 = tpu.memref_slice %arg11[%dma_wait3A_58, %dma_wait3A_59] : memref<10240x64xf32, #tpu.memory_space<vmem_shared>> -> memref<10240x64xf32, #tpu.memory_space<vmem_shared>>
        tpu.wait_indirect_dma semaphore(%run_scoped3A : memref<!tpu.dma_semaphore, #tpu.memory_space<semaphore_mem>>) src(%arg10 : memref<256x64xf32, #tpu.memory_space<vmem>>) dst(%dma_wait3A_60 : memref<10240x64xf32, #tpu.memory_space<vmem_shared>>)
        tpu.yield
      }) : () -> ()
    }
    %scan3A_13 = arith.constant 20 : i32
    %barrier3A_14 = arith.constant 0 : index
    tpu.barrier barrier_id(%barrier3A_14)
    %mul3A_15 = arith.constant 640 : i32
    %mul3A_16 = arith.muli %arg1, %mul3A_15 : i32
    %mul3A_17 = arith.constant 640 : i32
    %mul3A_18 = arith.muli %arg1, %mul3A_17 : i32
    "tpu.region"() ({
      %run_scoped3A = tpu.sem_alloc : memref<!tpu.dma_semaphore, #tpu.memory_space<semaphore_mem>>
      %dma_start3A_19 = arith.constant 0 : i32
      %dma_start3A_20 = tpu.memref_slice %arg6[%arg0, %mul3A_18, %dma_start3A_19] : memref<2x10240x64xf32, #tpu.memory_space<hbm>> -> memref<1x640x64xf32, #tpu.memory_space<hbm>>
      %dma_start3A_21 = tpu.memref_squeeze %dma_start3A_20 : memref<1x640x64xf32, #tpu.memory_space<hbm>> -> memref<640x64xf32, #tpu.memory_space<hbm>>
      %dma_start3A_22 = arith.constant 0 : i32
      %dma_start3A_23 = tpu.memref_slice %arg11[%mul3A_16, %dma_start3A_22] : memref<10240x64xf32, #tpu.memory_space<vmem_shared>> -> memref<640x64xf32, #tpu.memory_space<vmem_shared>>
      tpu.enqueue_dma source(%dma_start3A_23 : memref<640x64xf32, #tpu.memory_space<vmem_shared>>) target(%dma_start3A_21 : memref<640x64xf32, #tpu.memory_space<hbm>>) target_semaphore(%run_scoped3A : memref<!tpu.dma_semaphore, #tpu.memory_space<semaphore_mem>>)
      %dma_wait3A = arith.constant 0 : i32
      %dma_wait3A_24 = tpu.memref_slice %arg6[%arg0, %mul3A_18, %dma_wait3A] : memref<2x10240x64xf32, #tpu.memory_space<hbm>> -> memref<1x640x64xf32, #tpu.memory_space<hbm>>
      %dma_wait3A_25 = tpu.memref_squeeze %dma_wait3A_24 : memref<1x640x64xf32, #tpu.memory_space<hbm>> -> memref<640x64xf32, #tpu.memory_space<hbm>>
      %dma_wait3A_26 = arith.constant 0 : i32
      %dma_wait3A_27 = tpu.memref_slice %arg11[%mul3A_16, %dma_wait3A_26] : memref<10240x64xf32, #tpu.memory_space<vmem_shared>> -> memref<640x64xf32, #tpu.memory_space<vmem_shared>>
      tpu.wait_dma2 semaphore(%run_scoped3A : memref<!tpu.dma_semaphore, #tpu.memory_space<semaphore_mem>>) src(%dma_wait3A_27 : memref<640x64xf32, #tpu.memory_space<vmem_shared>>) dst(%dma_wait3A_25 : memref<640x64xf32, #tpu.memory_space<hbm>>)
      tpu.yield
    }) : () -> ()
    return
  }
}

#map = affine_map<(d0, d1) -> (0, 0)>
#map1 = affine_map<(d0, d1) -> (0, 0, 0)>
module attributes {stable_mosaic.version = 14 : i64} {
  func.func @_sc_propagate_body(%arg0: i32, %arg1: i32, %arg2: memref<10240x64xf32, #tpu.memory_space<hbm>>, %arg3: memref<32x40x256xi32, #tpu.memory_space<hbm>>, %arg4: memref<32x40x256xi32, #tpu.memory_space<hbm>>, %arg5: memref<640x64xf32, #tpu.memory_space<hbm>>, %arg6: memref<2x10240x64xf32, #tpu.memory_space<hbm>>, %arg7: memref<40x256xi32, #tpu.memory_space<vmem>>, %arg8: memref<40x256xi32, #tpu.memory_space<vmem>>, %arg9: memref<256x64xf32, #tpu.memory_space<vmem>>, %arg10: memref<256x64xf32, #tpu.memory_space<vmem>>, %arg11: memref<10240x64xf32, #tpu.memory_space<vmem_shared>>, %arg12: memref<!tpu.dma_semaphore, #tpu.memory_space<semaphore_mem>>, %arg13: memref<!tpu.dma_semaphore, #tpu.memory_space<semaphore_mem>>) attributes {dimension_semantics = [#tpu.dimension_semantics<core_parallel>, #tpu.dimension_semantics<subcore_parallel>], iteration_bounds = array<i64: 2, 16>, scalar_prefetch = 0 : i64, scratch_operands = 7 : i64, tpu.core_type = #tpu.core_type<sc_vector_subcore>, window_params = [{transform_indices = #map}, {transform_indices = #map1}, {transform_indices = #map1}, {transform_indices = #map}, {transform_indices = #map1}]} {
    %mul3A = arith.constant 16 : i32
    %mul3A_0 = arith.muli %arg0, %mul3A : i32
    %add3A = arith.addi %mul3A_0, %arg1 : i32
    %mul3A_1 = arith.constant 640 : i32
    %mul3A_2 = arith.muli %arg1, %mul3A_1 : i32
    "tpu.region"() ({
      %run_scoped3A = tpu.sem_alloc : memref<!tpu.dma_semaphore, #tpu.memory_space<semaphore_mem>>
      %dma_start3A_19 = arith.constant 0 : i32
      %dma_start3A_20 = tpu.memref_slice %arg11[%mul3A_2, %dma_start3A_19] : memref<10240x64xf32, #tpu.memory_space<vmem_shared>> -> memref<640x64xf32, #tpu.memory_space<vmem_shared>>
      tpu.enqueue_dma source(%arg5 : memref<640x64xf32, #tpu.memory_space<hbm>>) target(%dma_start3A_20 : memref<640x64xf32, #tpu.memory_space<vmem_shared>>) target_semaphore(%run_scoped3A : memref<!tpu.dma_semaphore, #tpu.memory_space<semaphore_mem>>)
      %dma_wait3A = arith.constant 0 : i32
      %dma_wait3A_21 = tpu.memref_slice %arg11[%mul3A_2, %dma_wait3A] : memref<10240x64xf32, #tpu.memory_space<vmem_shared>> -> memref<640x64xf32, #tpu.memory_space<vmem_shared>>
      tpu.wait_dma2 semaphore(%run_scoped3A : memref<!tpu.dma_semaphore, #tpu.memory_space<semaphore_mem>>) src(%arg5 : memref<640x64xf32, #tpu.memory_space<hbm>>) dst(%dma_wait3A_21 : memref<640x64xf32, #tpu.memory_space<vmem_shared>>)
      tpu.yield
    }) : () -> ()
    "tpu.region"() ({
      %run_scoped3A = tpu.sem_alloc : memref<!tpu.dma_semaphore, #tpu.memory_space<semaphore_mem>>
      %dma_start3A_19 = arith.constant 0 : i32
      %dma_start3A_20 = arith.constant 0 : i32
      %dma_start3A_21 = tpu.memref_slice %arg3[%add3A, %dma_start3A_19, %dma_start3A_20] : memref<32x40x256xi32, #tpu.memory_space<hbm>> -> memref<1x40x256xi32, #tpu.memory_space<hbm>>
      %dma_start3A_22 = tpu.memref_squeeze %dma_start3A_21 : memref<1x40x256xi32, #tpu.memory_space<hbm>> -> memref<40x256xi32, #tpu.memory_space<hbm>>
      %dma_start3A_23 = arith.constant 0 : i32
      %dma_start3A_24 = arith.constant 0 : i32
      %dma_start3A_25 = tpu.memref_slice %arg3[%add3A, %dma_start3A_23, %dma_start3A_24] : memref<32x40x256xi32, #tpu.memory_space<hbm>> -> memref<1x40x256xi32, #tpu.memory_space<hbm>>
      %dma_start3A_26 = tpu.memref_squeeze %dma_start3A_25 : memref<1x40x256xi32, #tpu.memory_space<hbm>> -> memref<40x256xi32, #tpu.memory_space<hbm>>
      tpu.enqueue_dma source(%dma_start3A_26 : memref<40x256xi32, #tpu.memory_space<hbm>>) target(%arg7 : memref<40x256xi32, #tpu.memory_space<vmem>>) target_semaphore(%run_scoped3A : memref<!tpu.dma_semaphore, #tpu.memory_space<semaphore_mem>>)
      %dma_wait3A = arith.constant 0 : i32
      %dma_wait3A_27 = arith.constant 0 : i32
      %dma_wait3A_28 = tpu.memref_slice %arg3[%add3A, %dma_wait3A, %dma_wait3A_27] : memref<32x40x256xi32, #tpu.memory_space<hbm>> -> memref<1x40x256xi32, #tpu.memory_space<hbm>>
      %dma_wait3A_29 = tpu.memref_squeeze %dma_wait3A_28 : memref<1x40x256xi32, #tpu.memory_space<hbm>> -> memref<40x256xi32, #tpu.memory_space<hbm>>
      %dma_wait3A_30 = arith.constant 0 : i32
      %dma_wait3A_31 = arith.constant 0 : i32
      %dma_wait3A_32 = tpu.memref_slice %arg3[%add3A, %dma_wait3A_30, %dma_wait3A_31] : memref<32x40x256xi32, #tpu.memory_space<hbm>> -> memref<1x40x256xi32, #tpu.memory_space<hbm>>
      %dma_wait3A_33 = tpu.memref_squeeze %dma_wait3A_32 : memref<1x40x256xi32, #tpu.memory_space<hbm>> -> memref<40x256xi32, #tpu.memory_space<hbm>>
      tpu.wait_dma2 semaphore(%run_scoped3A : memref<!tpu.dma_semaphore, #tpu.memory_space<semaphore_mem>>) src(%dma_wait3A_33 : memref<40x256xi32, #tpu.memory_space<hbm>>) dst(%arg7 : memref<40x256xi32, #tpu.memory_space<vmem>>)
      tpu.yield
    }) : () -> ()
    "tpu.region"() ({
      %run_scoped3A = tpu.sem_alloc : memref<!tpu.dma_semaphore, #tpu.memory_space<semaphore_mem>>
      %dma_start3A_19 = arith.constant 0 : i32
      %dma_start3A_20 = arith.constant 0 : i32
      %dma_start3A_21 = tpu.memref_slice %arg4[%add3A, %dma_start3A_19, %dma_start3A_20] : memref<32x40x256xi32, #tpu.memory_space<hbm>> -> memref<1x40x256xi32, #tpu.memory_space<hbm>>
      %dma_start3A_22 = tpu.memref_squeeze %dma_start3A_21 : memref<1x40x256xi32, #tpu.memory_space<hbm>> -> memref<40x256xi32, #tpu.memory_space<hbm>>
      %dma_start3A_23 = arith.constant 0 : i32
      %dma_start3A_24 = arith.constant 0 : i32
      %dma_start3A_25 = tpu.memref_slice %arg4[%add3A, %dma_start3A_23, %dma_start3A_24] : memref<32x40x256xi32, #tpu.memory_space<hbm>> -> memref<1x40x256xi32, #tpu.memory_space<hbm>>
      %dma_start3A_26 = tpu.memref_squeeze %dma_start3A_25 : memref<1x40x256xi32, #tpu.memory_space<hbm>> -> memref<40x256xi32, #tpu.memory_space<hbm>>
      tpu.enqueue_dma source(%dma_start3A_26 : memref<40x256xi32, #tpu.memory_space<hbm>>) target(%arg8 : memref<40x256xi32, #tpu.memory_space<vmem>>) target_semaphore(%run_scoped3A : memref<!tpu.dma_semaphore, #tpu.memory_space<semaphore_mem>>)
      %dma_wait3A = arith.constant 0 : i32
      %dma_wait3A_27 = arith.constant 0 : i32
      %dma_wait3A_28 = tpu.memref_slice %arg4[%add3A, %dma_wait3A, %dma_wait3A_27] : memref<32x40x256xi32, #tpu.memory_space<hbm>> -> memref<1x40x256xi32, #tpu.memory_space<hbm>>
      %dma_wait3A_29 = tpu.memref_squeeze %dma_wait3A_28 : memref<1x40x256xi32, #tpu.memory_space<hbm>> -> memref<40x256xi32, #tpu.memory_space<hbm>>
      %dma_wait3A_30 = arith.constant 0 : i32
      %dma_wait3A_31 = arith.constant 0 : i32
      %dma_wait3A_32 = tpu.memref_slice %arg4[%add3A, %dma_wait3A_30, %dma_wait3A_31] : memref<32x40x256xi32, #tpu.memory_space<hbm>> -> memref<1x40x256xi32, #tpu.memory_space<hbm>>
      %dma_wait3A_33 = tpu.memref_squeeze %dma_wait3A_32 : memref<1x40x256xi32, #tpu.memory_space<hbm>> -> memref<40x256xi32, #tpu.memory_space<hbm>>
      tpu.wait_dma2 semaphore(%run_scoped3A : memref<!tpu.dma_semaphore, #tpu.memory_space<semaphore_mem>>) src(%dma_wait3A_33 : memref<40x256xi32, #tpu.memory_space<hbm>>) dst(%arg8 : memref<40x256xi32, #tpu.memory_space<vmem>>)
      tpu.yield
    }) : () -> ()
    %barrier3A = arith.constant 0 : index
    tpu.barrier barrier_id(%barrier3A)
    %dma_start3A = arith.constant 0 : i32
    %dma_start3A_3 = arith.constant 0 : i32
    %dma_start3A_4 = tpu.memref_slice %arg7[%dma_start3A, %dma_start3A_3] : memref<40x256xi32, #tpu.memory_space<vmem>> -> memref<1x256xi32, #tpu.memory_space<vmem>>
    %dma_start3A_5 = tpu.memref_squeeze %dma_start3A_4 : memref<1x256xi32, #tpu.memory_space<vmem>> -> memref<256xi32, #tpu.memory_space<vmem>>
    %dma_start3A_6 = arith.constant 0 : i32
    %dma_start3A_7 = arith.constant 0 : i32
    %dma_start3A_8 = tpu.memref_slice %arg2[%dma_start3A_6, %dma_start3A_7] : memref<10240x64xf32, #tpu.memory_space<hbm>> -> memref<10240x64xf32, #tpu.memory_space<hbm>>
    tpu.enqueue_indirect_dma source(%dma_start3A_8 : memref<10240x64xf32, #tpu.memory_space<hbm>>) target(%arg9 : memref<256x64xf32, #tpu.memory_space<vmem>>) offsets(%dma_start3A_5 : memref<256xi32, #tpu.memory_space<vmem>>) semaphore(%arg12 : memref<!tpu.dma_semaphore, #tpu.memory_space<semaphore_mem>>)
    %scan3A = arith.constant 0 : i32
    %scan3A_9 = arith.constant 0 : i32
    %scan3A_10 = arith.constant 20 : i32
    %scan3A_11 = arith.addi %scan3A_9, %scan3A_10 : i32
    %scan3A_12 = arith.constant 1 : i32
    scf.for %scan3A_19 = %scan3A_9 to %scan3A_11 step %scan3A_12  : i32 {
      %mul3A_20 = arith.constant 2 : i32
      %mul3A_21 = arith.muli %scan3A_19, %mul3A_20 : i32
      %dma_wait3A = arith.constant 0 : i32
      %dma_wait3A_22 = tpu.memref_slice %arg7[%mul3A_21, %dma_wait3A] : memref<40x256xi32, #tpu.memory_space<vmem>> -> memref<1x256xi32, #tpu.memory_space<vmem>>
      %dma_wait3A_23 = tpu.memref_squeeze %dma_wait3A_22 : memref<1x256xi32, #tpu.memory_space<vmem>> -> memref<256xi32, #tpu.memory_space<vmem>>
      %dma_wait3A_24 = arith.constant 0 : i32
      %dma_wait3A_25 = arith.constant 0 : i32
      %dma_wait3A_26 = tpu.memref_slice %arg2[%dma_wait3A_24, %dma_wait3A_25] : memref<10240x64xf32, #tpu.memory_space<hbm>> -> memref<10240x64xf32, #tpu.memory_space<hbm>>
      tpu.wait_indirect_dma semaphore(%arg12 : memref<!tpu.dma_semaphore, #tpu.memory_space<semaphore_mem>>) src(%dma_wait3A_26 : memref<10240x64xf32, #tpu.memory_space<hbm>>) dst(%arg9 : memref<256x64xf32, #tpu.memory_space<vmem>>)
      %add3A_27 = arith.constant 1 : i32
      %add3A_28 = arith.addi %mul3A_21, %add3A_27 : i32
      %dma_start3A_29 = arith.constant 0 : i32
      %dma_start3A_30 = tpu.memref_slice %arg7[%add3A_28, %dma_start3A_29] : memref<40x256xi32, #tpu.memory_space<vmem>> -> memref<1x256xi32, #tpu.memory_space<vmem>>
      %dma_start3A_31 = tpu.memref_squeeze %dma_start3A_30 : memref<1x256xi32, #tpu.memory_space<vmem>> -> memref<256xi32, #tpu.memory_space<vmem>>
      %dma_start3A_32 = arith.constant 0 : i32
      %dma_start3A_33 = arith.constant 0 : i32
      %dma_start3A_34 = tpu.memref_slice %arg2[%dma_start3A_32, %dma_start3A_33] : memref<10240x64xf32, #tpu.memory_space<hbm>> -> memref<10240x64xf32, #tpu.memory_space<hbm>>
      tpu.enqueue_indirect_dma source(%dma_start3A_34 : memref<10240x64xf32, #tpu.memory_space<hbm>>) target(%arg10 : memref<256x64xf32, #tpu.memory_space<vmem>>) offsets(%dma_start3A_31 : memref<256xi32, #tpu.memory_space<vmem>>) semaphore(%arg13 : memref<!tpu.dma_semaphore, #tpu.memory_space<semaphore_mem>>)
      "tpu.region"() ({
        %run_scoped3A = tpu.sem_alloc : memref<!tpu.dma_semaphore, #tpu.memory_space<semaphore_mem>>
        %dma_start3A_49 = arith.constant 0 : i32
        %dma_start3A_50 = tpu.memref_slice %arg8[%mul3A_21, %dma_start3A_49] : memref<40x256xi32, #tpu.memory_space<vmem>> -> memref<1x256xi32, #tpu.memory_space<vmem>>
        %dma_start3A_51 = tpu.memref_squeeze %dma_start3A_50 : memref<1x256xi32, #tpu.memory_space<vmem>> -> memref<256xi32, #tpu.memory_space<vmem>>
        %dma_start3A_52 = arith.constant 0 : i32
        %dma_start3A_53 = arith.constant 0 : i32
        %dma_start3A_54 = tpu.memref_slice %arg11[%dma_start3A_52, %dma_start3A_53] : memref<10240x64xf32, #tpu.memory_space<vmem_shared>> -> memref<10240x64xf32, #tpu.memory_space<vmem_shared>>
        tpu.enqueue_indirect_dma source(%arg9 : memref<256x64xf32, #tpu.memory_space<vmem>>) target(%dma_start3A_54 : memref<10240x64xf32, #tpu.memory_space<vmem_shared>>) offsets(%dma_start3A_51 : memref<256xi32, #tpu.memory_space<vmem>>) semaphore(%run_scoped3A : memref<!tpu.dma_semaphore, #tpu.memory_space<semaphore_mem>>) {add = true}
        %dma_wait3A_55 = arith.constant 0 : i32
        %dma_wait3A_56 = tpu.memref_slice %arg8[%mul3A_21, %dma_wait3A_55] : memref<40x256xi32, #tpu.memory_space<vmem>> -> memref<1x256xi32, #tpu.memory_space<vmem>>
        %dma_wait3A_57 = tpu.memref_squeeze %dma_wait3A_56 : memref<1x256xi32, #tpu.memory_space<vmem>> -> memref<256xi32, #tpu.memory_space<vmem>>
        %dma_wait3A_58 = arith.constant 0 : i32
        %dma_wait3A_59 = arith.constant 0 : i32
        %dma_wait3A_60 = tpu.memref_slice %arg11[%dma_wait3A_58, %dma_wait3A_59] : memref<10240x64xf32, #tpu.memory_space<vmem_shared>> -> memref<10240x64xf32, #tpu.memory_space<vmem_shared>>
        tpu.wait_indirect_dma semaphore(%run_scoped3A : memref<!tpu.dma_semaphore, #tpu.memory_space<semaphore_mem>>) src(%arg9 : memref<256x64xf32, #tpu.memory_space<vmem>>) dst(%dma_wait3A_60 : memref<10240x64xf32, #tpu.memory_space<vmem_shared>>)
        tpu.yield
      }) : () -> ()
      %add3A_35 = arith.constant 1 : i32
      %add3A_36 = arith.addi %mul3A_21, %add3A_35 : i32
      %dma_wait3A_37 = arith.constant 0 : i32
      %dma_wait3A_38 = tpu.memref_slice %arg7[%add3A_36, %dma_wait3A_37] : memref<40x256xi32, #tpu.memory_space<vmem>> -> memref<1x256xi32, #tpu.memory_space<vmem>>
      %dma_wait3A_39 = tpu.memref_squeeze %dma_wait3A_38 : memref<1x256xi32, #tpu.memory_space<vmem>> -> memref<256xi32, #tpu.memory_space<vmem>>
      %dma_wait3A_40 = arith.constant 0 : i32
      %dma_wait3A_41 = arith.constant 0 : i32
      %dma_wait3A_42 = tpu.memref_slice %arg2[%dma_wait3A_40, %dma_wait3A_41] : memref<10240x64xf32, #tpu.memory_space<hbm>> -> memref<10240x64xf32, #tpu.memory_space<hbm>>
      tpu.wait_indirect_dma semaphore(%arg13 : memref<!tpu.dma_semaphore, #tpu.memory_space<semaphore_mem>>) src(%dma_wait3A_42 : memref<10240x64xf32, #tpu.memory_space<hbm>>) dst(%arg10 : memref<256x64xf32, #tpu.memory_space<vmem>>)
      %add3A_43 = arith.constant 2 : i32
      %add3A_44 = arith.addi %mul3A_21, %add3A_43 : i32
      %lt3A = arith.constant 40 : i32
      %lt3A_45 = arith.cmpi slt, %add3A_44, %lt3A : i32
      %convert_element_type3A = arith.extui %lt3A_45 : i1 to i32
      %cond3A = arith.constant 0 : i32
      %cond3A_46 = arith.cmpi ne, %convert_element_type3A, %cond3A : i32
      scf.if %cond3A_46 {
        %add3A_49 = arith.constant 2 : i32
        %add3A_50 = arith.addi %mul3A_21, %add3A_49 : i32
        %dma_start3A_51 = arith.constant 0 : i32
        %dma_start3A_52 = tpu.memref_slice %arg7[%add3A_50, %dma_start3A_51] : memref<40x256xi32, #tpu.memory_space<vmem>> -> memref<1x256xi32, #tpu.memory_space<vmem>>
        %dma_start3A_53 = tpu.memref_squeeze %dma_start3A_52 : memref<1x256xi32, #tpu.memory_space<vmem>> -> memref<256xi32, #tpu.memory_space<vmem>>
        %dma_start3A_54 = arith.constant 0 : i32
        %dma_start3A_55 = arith.constant 0 : i32
        %dma_start3A_56 = tpu.memref_slice %arg2[%dma_start3A_54, %dma_start3A_55] : memref<10240x64xf32, #tpu.memory_space<hbm>> -> memref<10240x64xf32, #tpu.memory_space<hbm>>
        tpu.enqueue_indirect_dma source(%dma_start3A_56 : memref<10240x64xf32, #tpu.memory_space<hbm>>) target(%arg9 : memref<256x64xf32, #tpu.memory_space<vmem>>) offsets(%dma_start3A_53 : memref<256xi32, #tpu.memory_space<vmem>>) semaphore(%arg12 : memref<!tpu.dma_semaphore, #tpu.memory_space<semaphore_mem>>)
      } else {
      }
      %add3A_47 = arith.constant 1 : i32
      %add3A_48 = arith.addi %mul3A_21, %add3A_47 : i32
      "tpu.region"() ({
        %run_scoped3A = tpu.sem_alloc : memref<!tpu.dma_semaphore, #tpu.memory_space<semaphore_mem>>
        %dma_start3A_49 = arith.constant 0 : i32
        %dma_start3A_50 = tpu.memref_slice %arg8[%add3A_48, %dma_start3A_49] : memref<40x256xi32, #tpu.memory_space<vmem>> -> memref<1x256xi32, #tpu.memory_space<vmem>>
        %dma_start3A_51 = tpu.memref_squeeze %dma_start3A_50 : memref<1x256xi32, #tpu.memory_space<vmem>> -> memref<256xi32, #tpu.memory_space<vmem>>
        %dma_start3A_52 = arith.constant 0 : i32
        %dma_start3A_53 = arith.constant 0 : i32
        %dma_start3A_54 = tpu.memref_slice %arg11[%dma_start3A_52, %dma_start3A_53] : memref<10240x64xf32, #tpu.memory_space<vmem_shared>> -> memref<10240x64xf32, #tpu.memory_space<vmem_shared>>
        tpu.enqueue_indirect_dma source(%arg10 : memref<256x64xf32, #tpu.memory_space<vmem>>) target(%dma_start3A_54 : memref<10240x64xf32, #tpu.memory_space<vmem_shared>>) offsets(%dma_start3A_51 : memref<256xi32, #tpu.memory_space<vmem>>) semaphore(%run_scoped3A : memref<!tpu.dma_semaphore, #tpu.memory_space<semaphore_mem>>) {add = true}
        %dma_wait3A_55 = arith.constant 0 : i32
        %dma_wait3A_56 = tpu.memref_slice %arg8[%add3A_48, %dma_wait3A_55] : memref<40x256xi32, #tpu.memory_space<vmem>> -> memref<1x256xi32, #tpu.memory_space<vmem>>
        %dma_wait3A_57 = tpu.memref_squeeze %dma_wait3A_56 : memref<1x256xi32, #tpu.memory_space<vmem>> -> memref<256xi32, #tpu.memory_space<vmem>>
        %dma_wait3A_58 = arith.constant 0 : i32
        %dma_wait3A_59 = arith.constant 0 : i32
        %dma_wait3A_60 = tpu.memref_slice %arg11[%dma_wait3A_58, %dma_wait3A_59] : memref<10240x64xf32, #tpu.memory_space<vmem_shared>> -> memref<10240x64xf32, #tpu.memory_space<vmem_shared>>
        tpu.wait_indirect_dma semaphore(%run_scoped3A : memref<!tpu.dma_semaphore, #tpu.memory_space<semaphore_mem>>) src(%arg10 : memref<256x64xf32, #tpu.memory_space<vmem>>) dst(%dma_wait3A_60 : memref<10240x64xf32, #tpu.memory_space<vmem_shared>>)
        tpu.yield
      }) : () -> ()
    }
    %scan3A_13 = arith.constant 20 : i32
    %barrier3A_14 = arith.constant 0 : index
    tpu.barrier barrier_id(%barrier3A_14)
    %mul3A_15 = arith.constant 640 : i32
    %mul3A_16 = arith.muli %arg1, %mul3A_15 : i32
    %mul3A_17 = arith.constant 640 : i32
    %mul3A_18 = arith.muli %arg1, %mul3A_17 : i32
    "tpu.region"() ({
      %run_scoped3A = tpu.sem_alloc : memref<!tpu.dma_semaphore, #tpu.memory_space<semaphore_mem>>
      %dma_start3A_19 = arith.constant 0 : i32
      %dma_start3A_20 = tpu.memref_slice %arg6[%arg0, %mul3A_18, %dma_start3A_19] : memref<2x10240x64xf32, #tpu.memory_space<hbm>> -> memref<1x640x64xf32, #tpu.memory_space<hbm>>
      %dma_start3A_21 = tpu.memref_squeeze %dma_start3A_20 : memref<1x640x64xf32, #tpu.memory_space<hbm>> -> memref<640x64xf32, #tpu.memory_space<hbm>>
      %dma_start3A_22 = arith.constant 0 : i32
      %dma_start3A_23 = tpu.memref_slice %arg11[%mul3A_16, %dma_start3A_22] : memref<10240x64xf32, #tpu.memory_space<vmem_shared>> -> memref<640x64xf32, #tpu.memory_space<vmem_shared>>
      tpu.enqueue_dma source(%dma_start3A_23 : memref<640x64xf32, #tpu.memory_space<vmem_shared>>) target(%dma_start3A_21 : memref<640x64xf32, #tpu.memory_space<hbm>>) target_semaphore(%run_scoped3A : memref<!tpu.dma_semaphore, #tpu.memory_space<semaphore_mem>>)
      %dma_wait3A = arith.constant 0 : i32
      %dma_wait3A_24 = tpu.memref_slice %arg6[%arg0, %mul3A_18, %dma_wait3A] : memref<2x10240x64xf32, #tpu.memory_space<hbm>> -> memref<1x640x64xf32, #tpu.memory_space<hbm>>
      %dma_wait3A_25 = tpu.memref_squeeze %dma_wait3A_24 : memref<1x640x64xf32, #tpu.memory_space<hbm>> -> memref<640x64xf32, #tpu.memory_space<hbm>>
      %dma_wait3A_26 = arith.constant 0 : i32
      %dma_wait3A_27 = tpu.memref_slice %arg11[%mul3A_16, %dma_wait3A_26] : memref<10240x64xf32, #tpu.memory_space<vmem_shared>> -> memref<640x64xf32, #tpu.memory_space<vmem_shared>>
      tpu.wait_dma2 semaphore(%run_scoped3A : memref<!tpu.dma_semaphore, #tpu.memory_space<semaphore_mem>>) src(%dma_wait3A_27 : memref<640x64xf32, #tpu.memory_space<vmem_shared>>) dst(%dma_wait3A_25 : memref<640x64xf32, #tpu.memory_space<hbm>>)
      tpu.yield
    }) : () -> ()
    return
  }
}

#map = affine_map<(d0, d1) -> (0, 0, 0)>
#map1 = affine_map<(d0, d1) -> (0, 0)>
module attributes {stable_mosaic.version = 14 : i64} {
  func.func @_sc_degree_body(%arg0: i32, %arg1: i32, %arg2: memref<32x40x256xi32, #tpu.memory_space<hbm>>, %arg3: memref<256x16xf32, #tpu.memory_space<hbm>>, %arg4: memref<640x16xf32, #tpu.memory_space<hbm>>, %arg5: memref<2x10240x16xf32, #tpu.memory_space<hbm>>, %arg6: memref<40x256xi32, #tpu.memory_space<vmem>>, %arg7: memref<256x16xf32, #tpu.memory_space<vmem>>, %arg8: memref<10240x16xf32, #tpu.memory_space<vmem_shared>>) attributes {dimension_semantics = [#tpu.dimension_semantics<core_parallel>, #tpu.dimension_semantics<subcore_parallel>], iteration_bounds = array<i64: 2, 16>, scalar_prefetch = 0 : i64, scratch_operands = 3 : i64, tpu.core_type = #tpu.core_type<sc_vector_subcore>, window_params = [{transform_indices = #map}, {transform_indices = #map1}, {transform_indices = #map1}, {transform_indices = #map}]} {
    %mul3A = arith.constant 16 : i32
    %mul3A_0 = arith.muli %arg0, %mul3A : i32
    %add3A = arith.addi %mul3A_0, %arg1 : i32
    %mul3A_1 = arith.constant 640 : i32
    %mul3A_2 = arith.muli %arg1, %mul3A_1 : i32
    "tpu.region"() ({
      %run_scoped3A = tpu.sem_alloc : memref<!tpu.dma_semaphore, #tpu.memory_space<semaphore_mem>>
      %dma_start3A = arith.constant 0 : i32
      %dma_start3A_13 = tpu.memref_slice %arg8[%mul3A_2, %dma_start3A] : memref<10240x16xf32, #tpu.memory_space<vmem_shared>> -> memref<640x16xf32, #tpu.memory_space<vmem_shared>>
      tpu.enqueue_dma source(%arg4 : memref<640x16xf32, #tpu.memory_space<hbm>>) target(%dma_start3A_13 : memref<640x16xf32, #tpu.memory_space<vmem_shared>>) target_semaphore(%run_scoped3A : memref<!tpu.dma_semaphore, #tpu.memory_space<semaphore_mem>>)
      %dma_wait3A = arith.constant 0 : i32
      %dma_wait3A_14 = tpu.memref_slice %arg8[%mul3A_2, %dma_wait3A] : memref<10240x16xf32, #tpu.memory_space<vmem_shared>> -> memref<640x16xf32, #tpu.memory_space<vmem_shared>>
      tpu.wait_dma2 semaphore(%run_scoped3A : memref<!tpu.dma_semaphore, #tpu.memory_space<semaphore_mem>>) src(%arg4 : memref<640x16xf32, #tpu.memory_space<hbm>>) dst(%dma_wait3A_14 : memref<640x16xf32, #tpu.memory_space<vmem_shared>>)
      tpu.yield
    }) : () -> ()
    "tpu.region"() ({
      %run_scoped3A = tpu.sem_alloc : memref<!tpu.dma_semaphore, #tpu.memory_space<semaphore_mem>>
      tpu.enqueue_dma source(%arg3 : memref<256x16xf32, #tpu.memory_space<hbm>>) target(%arg7 : memref<256x16xf32, #tpu.memory_space<vmem>>) target_semaphore(%run_scoped3A : memref<!tpu.dma_semaphore, #tpu.memory_space<semaphore_mem>>)
      tpu.wait_dma2 semaphore(%run_scoped3A : memref<!tpu.dma_semaphore, #tpu.memory_space<semaphore_mem>>) src(%arg3 : memref<256x16xf32, #tpu.memory_space<hbm>>) dst(%arg7 : memref<256x16xf32, #tpu.memory_space<vmem>>)
      tpu.yield
    }) : () -> ()
    "tpu.region"() ({
      %run_scoped3A = tpu.sem_alloc : memref<!tpu.dma_semaphore, #tpu.memory_space<semaphore_mem>>
      %dma_start3A = arith.constant 0 : i32
      %dma_start3A_13 = arith.constant 0 : i32
      %dma_start3A_14 = tpu.memref_slice %arg2[%add3A, %dma_start3A, %dma_start3A_13] : memref<32x40x256xi32, #tpu.memory_space<hbm>> -> memref<1x40x256xi32, #tpu.memory_space<hbm>>
      %dma_start3A_15 = tpu.memref_squeeze %dma_start3A_14 : memref<1x40x256xi32, #tpu.memory_space<hbm>> -> memref<40x256xi32, #tpu.memory_space<hbm>>
      %dma_start3A_16 = arith.constant 0 : i32
      %dma_start3A_17 = arith.constant 0 : i32
      %dma_start3A_18 = tpu.memref_slice %arg2[%add3A, %dma_start3A_16, %dma_start3A_17] : memref<32x40x256xi32, #tpu.memory_space<hbm>> -> memref<1x40x256xi32, #tpu.memory_space<hbm>>
      %dma_start3A_19 = tpu.memref_squeeze %dma_start3A_18 : memref<1x40x256xi32, #tpu.memory_space<hbm>> -> memref<40x256xi32, #tpu.memory_space<hbm>>
      tpu.enqueue_dma source(%dma_start3A_19 : memref<40x256xi32, #tpu.memory_space<hbm>>) target(%arg6 : memref<40x256xi32, #tpu.memory_space<vmem>>) target_semaphore(%run_scoped3A : memref<!tpu.dma_semaphore, #tpu.memory_space<semaphore_mem>>)
      %dma_wait3A = arith.constant 0 : i32
      %dma_wait3A_20 = arith.constant 0 : i32
      %dma_wait3A_21 = tpu.memref_slice %arg2[%add3A, %dma_wait3A, %dma_wait3A_20] : memref<32x40x256xi32, #tpu.memory_space<hbm>> -> memref<1x40x256xi32, #tpu.memory_space<hbm>>
      %dma_wait3A_22 = tpu.memref_squeeze %dma_wait3A_21 : memref<1x40x256xi32, #tpu.memory_space<hbm>> -> memref<40x256xi32, #tpu.memory_space<hbm>>
      %dma_wait3A_23 = arith.constant 0 : i32
      %dma_wait3A_24 = arith.constant 0 : i32
      %dma_wait3A_25 = tpu.memref_slice %arg2[%add3A, %dma_wait3A_23, %dma_wait3A_24] : memref<32x40x256xi32, #tpu.memory_space<hbm>> -> memref<1x40x256xi32, #tpu.memory_space<hbm>>
      %dma_wait3A_26 = tpu.memref_squeeze %dma_wait3A_25 : memref<1x40x256xi32, #tpu.memory_space<hbm>> -> memref<40x256xi32, #tpu.memory_space<hbm>>
      tpu.wait_dma2 semaphore(%run_scoped3A : memref<!tpu.dma_semaphore, #tpu.memory_space<semaphore_mem>>) src(%dma_wait3A_26 : memref<40x256xi32, #tpu.memory_space<hbm>>) dst(%arg6 : memref<40x256xi32, #tpu.memory_space<vmem>>)
      tpu.yield
    }) : () -> ()
    %barrier3A = arith.constant 0 : index
    tpu.barrier barrier_id(%barrier3A)
    %scan3A = arith.constant 0 : i32
    %scan3A_3 = arith.constant 0 : i32
    %scan3A_4 = arith.constant 40 : i32
    %scan3A_5 = arith.addi %scan3A_3, %scan3A_4 : i32
    %scan3A_6 = arith.constant 1 : i32
    scf.for %scan3A_13 = %scan3A_3 to %scan3A_5 step %scan3A_6  : i32 {
      "tpu.region"() ({
        %run_scoped3A = tpu.sem_alloc : memref<!tpu.dma_semaphore, #tpu.memory_space<semaphore_mem>>
        %dma_start3A = arith.constant 0 : i32
        %dma_start3A_14 = tpu.memref_slice %arg6[%scan3A_13, %dma_start3A] : memref<40x256xi32, #tpu.memory_space<vmem>> -> memref<1x256xi32, #tpu.memory_space<vmem>>
        %dma_start3A_15 = tpu.memref_squeeze %dma_start3A_14 : memref<1x256xi32, #tpu.memory_space<vmem>> -> memref<256xi32, #tpu.memory_space<vmem>>
        %dma_start3A_16 = arith.constant 0 : i32
        %dma_start3A_17 = arith.constant 0 : i32
        %dma_start3A_18 = tpu.memref_slice %arg8[%dma_start3A_16, %dma_start3A_17] : memref<10240x16xf32, #tpu.memory_space<vmem_shared>> -> memref<10240x16xf32, #tpu.memory_space<vmem_shared>>
        tpu.enqueue_indirect_dma source(%arg7 : memref<256x16xf32, #tpu.memory_space<vmem>>) target(%dma_start3A_18 : memref<10240x16xf32, #tpu.memory_space<vmem_shared>>) offsets(%dma_start3A_15 : memref<256xi32, #tpu.memory_space<vmem>>) semaphore(%run_scoped3A : memref<!tpu.dma_semaphore, #tpu.memory_space<semaphore_mem>>) {add = true}
        %dma_wait3A = arith.constant 0 : i32
        %dma_wait3A_19 = tpu.memref_slice %arg6[%scan3A_13, %dma_wait3A] : memref<40x256xi32, #tpu.memory_space<vmem>> -> memref<1x256xi32, #tpu.memory_space<vmem>>
        %dma_wait3A_20 = tpu.memref_squeeze %dma_wait3A_19 : memref<1x256xi32, #tpu.memory_space<vmem>> -> memref<256xi32, #tpu.memory_space<vmem>>
        %dma_wait3A_21 = arith.constant 0 : i32
        %dma_wait3A_22 = arith.constant 0 : i32
        %dma_wait3A_23 = tpu.memref_slice %arg8[%dma_wait3A_21, %dma_wait3A_22] : memref<10240x16xf32, #tpu.memory_space<vmem_shared>> -> memref<10240x16xf32, #tpu.memory_space<vmem_shared>>
        tpu.wait_indirect_dma semaphore(%run_scoped3A : memref<!tpu.dma_semaphore, #tpu.memory_space<semaphore_mem>>) src(%arg7 : memref<256x16xf32, #tpu.memory_space<vmem>>) dst(%dma_wait3A_23 : memref<10240x16xf32, #tpu.memory_space<vmem_shared>>)
        tpu.yield
      }) : () -> ()
    }
    %scan3A_7 = arith.constant 40 : i32
    %barrier3A_8 = arith.constant 0 : index
    tpu.barrier barrier_id(%barrier3A_8)
    %mul3A_9 = arith.constant 640 : i32
    %mul3A_10 = arith.muli %arg1, %mul3A_9 : i32
    %mul3A_11 = arith.constant 640 : i32
    %mul3A_12 = arith.muli %arg1, %mul3A_11 : i32
    "tpu.region"() ({
      %run_scoped3A = tpu.sem_alloc : memref<!tpu.dma_semaphore, #tpu.memory_space<semaphore_mem>>
      %dma_start3A = arith.constant 0 : i32
      %dma_start3A_13 = tpu.memref_slice %arg5[%arg0, %mul3A_12, %dma_start3A] : memref<2x10240x16xf32, #tpu.memory_space<hbm>> -> memref<1x640x16xf32, #tpu.memory_space<hbm>>
      %dma_start3A_14 = tpu.memref_squeeze %dma_start3A_13 : memref<1x640x16xf32, #tpu.memory_space<hbm>> -> memref<640x16xf32, #tpu.memory_space<hbm>>
      %dma_start3A_15 = arith.constant 0 : i32
      %dma_start3A_16 = tpu.memref_slice %arg8[%mul3A_10, %dma_start3A_15] : memref<10240x16xf32, #tpu.memory_space<vmem_shared>> -> memref<640x16xf32, #tpu.memory_space<vmem_shared>>
      tpu.enqueue_dma source(%dma_start3A_16 : memref<640x16xf32, #tpu.memory_space<vmem_shared>>) target(%dma_start3A_14 : memref<640x16xf32, #tpu.memory_space<hbm>>) target_semaphore(%run_scoped3A : memref<!tpu.dma_semaphore, #tpu.memory_space<semaphore_mem>>)
      %dma_wait3A = arith.constant 0 : i32
      %dma_wait3A_17 = tpu.memref_slice %arg5[%arg0, %mul3A_12, %dma_wait3A] : memref<2x10240x16xf32, #tpu.memory_space<hbm>> -> memref<1x640x16xf32, #tpu.memory_space<hbm>>
      %dma_wait3A_18 = tpu.memref_squeeze %dma_wait3A_17 : memref<1x640x16xf32, #tpu.memory_space<hbm>> -> memref<640x16xf32, #tpu.memory_space<hbm>>
      %dma_wait3A_19 = arith.constant 0 : i32
      %dma_wait3A_20 = tpu.memref_slice %arg8[%mul3A_10, %dma_wait3A_19] : memref<10240x16xf32, #tpu.memory_space<vmem_shared>> -> memref<640x16xf32, #tpu.memory_space<vmem_shared>>
      tpu.wait_dma2 semaphore(%run_scoped3A : memref<!tpu.dma_semaphore, #tpu.memory_space<semaphore_mem>>) src(%dma_wait3A_20 : memref<640x16xf32, #tpu.memory_space<vmem_shared>>) dst(%dma_wait3A_18 : memref<640x16xf32, #tpu.memory_space<hbm>>)
      tpu.yield
    }) : () -> ()
    return
  }
}

module attributes {stable_mosaic.version = 14 : i64} {
  func.func @_enc_body(%arg0: i32, %arg1: memref<400x16x128xbf16, #tpu.memory_space<vmem>>, %arg2: memref<400x16xf32, #tpu.memory_space<vmem>>, %arg3: memref<128x64xbf16, #tpu.memory_space<vmem>>, %arg4: memref<1x64xf32, #tpu.memory_space<vmem>>, %arg5: memref<400x16x64xbf16, #tpu.memory_space<vmem>>) attributes {dimension_semantics = [#tpu.dimension_semantics<arbitrary>], iteration_bounds = array<i64: 25>, scalar_prefetch = 0 : i64, scratch_operands = 0 : i64, tpu.core_type = #tpu.core_type<tc>, window_params = [{transform_indices = @transform_0, window_bounds = array<i64: 400, 16, 128>}, {transform_indices = @transform_1, window_bounds = array<i64: 400, 16>}, {pipeline_mode = #tpu.pipeline_mode<synchronous>, transform_indices = @transform_2, window_bounds = array<i64: 128, 64>}, {pipeline_mode = #tpu.pipeline_mode<synchronous>, transform_indices = @transform_3, window_bounds = array<i64: 1, 64>}, {transform_indices = @transform_4, window_bounds = array<i64: 400, 16, 64>}]} {
    %get3A = arith.constant 0 : index
    %get3A_0 = arith.constant 0 : index
    %get3A_1 = arith.constant 0 : index
    %get3A_2 = vector.load %arg1[%get3A, %get3A_0, %get3A_1] : memref<400x16x128xbf16, #tpu.memory_space<vmem>>, vector<400x16x128xbf16>
    %reshape3A = vector.shape_cast %get3A_2 : vector<400x16x128xbf16> to vector<6400x128xbf16>
    %get3A_3 = arith.constant 0 : index
    %get3A_4 = arith.constant 0 : index
    %get3A_5 = vector.load %arg3[%get3A_3, %get3A_4] : memref<128x64xbf16, #tpu.memory_space<vmem>>, vector<128x64xbf16>
    %dot_general3A = arith.constant dense<0.000000e+00> : vector<6400x64xf32>
    %dot_general3A_6 = tpu.matmul %reshape3A, %get3A_5, %dot_general3A {dimension_numbers = #tpu.dot_dimension_numbers<[1], [0], [0], [1], [0, 0, 1, 1], [], []>, transpose_lhs_hint = false} : vector<6400x128xbf16>, vector<128x64xbf16>, vector<6400x64xf32> -> vector<6400x64xf32>
    %get3A_7 = arith.constant 0 : index
    %get3A_8 = arith.constant 0 : index
    %get3A_9 = vector.load %arg4[%get3A_7, %get3A_8] : memref<1x64xf32, #tpu.memory_space<vmem>>, vector<1x64xf32>
    %add3A = vector.broadcast %get3A_9 : vector<1x64xf32> to vector<6400x64xf32>
    %add3A_10 = arith.addf %dot_general3A_6, %add3A : vector<6400x64xf32>
    %max3A = arith.constant 0.000000e+00 : f32
    %max3A_11 = vector.broadcast %max3A : f32 to vector<6400x64xf32>
    %max3A_12 = arith.maximumf %add3A_10, %max3A_11 : vector<6400x64xf32>
    %reshape3A_13 = vector.shape_cast %max3A_12 : vector<6400x64xf32> to vector<400x16x64xf32>
    %get3A_14 = arith.constant 0 : index
    %get3A_15 = arith.constant 0 : index
    %get3A_16 = vector.load %arg2[%get3A_14, %get3A_15] : memref<400x16xf32, #tpu.memory_space<vmem>>, vector<400x16xf32>
    %broadcast_in_dim3A = vector.shape_cast %get3A_16 : vector<400x16xf32> to vector<400x16x1xf32>
    %mul3A = vector.broadcast %broadcast_in_dim3A : vector<400x16x1xf32> to vector<400x16x64xf32>
    %mul3A_17 = arith.mulf %reshape3A_13, %mul3A : vector<400x16x64xf32>
    %convert_element_type3A = arith.truncf %mul3A_17 : vector<400x16x64xf32> to vector<400x16x64xbf16>
    %swap3A = arith.constant 0 : index
    %swap3A_18 = arith.constant 0 : index
    %swap3A_19 = arith.constant 0 : index
    %swap3A_20 = vector.load %arg5[%swap3A, %swap3A_18, %swap3A_19] : memref<400x16x64xbf16, #tpu.memory_space<vmem>>, vector<400x16x64xbf16>
    tpu.vector_store %arg5[%swap3A, %swap3A_18, %swap3A_19], %convert_element_type3A {strides = array<i32>} : memref<400x16x64xbf16, #tpu.memory_space<vmem>>, vector<400x16x64xbf16>,
    return
  }
  func.func @transform_0(%arg0: i32) -> (i32, i32, i32) {
    %c0_i32 = arith.constant 0 : i32
    %c0_i32_0 = arith.constant 0 : i32
    %c0_i32_1 = arith.constant 0 : i32
    return %arg0, %c0_i32, %c0_i32_0 : i32, i32, i32
  }
  func.func @transform_1(%arg0: i32) -> (i32, i32) {
    %c0_i32 = arith.constant 0 : i32
    %c0_i32_0 = arith.constant 0 : i32
    return %arg0, %c0_i32 : i32, i32
  }
  func.func @transform_2(%arg0: i32) -> (i32, i32) {
    %c0_i32 = arith.constant 0 : i32
    %c0_i32_0 = arith.constant 0 : i32
    %c0_i32_1 = arith.constant 0 : i32
    return %c0_i32, %c0_i32_0 : i32, i32
  }
  func.func @transform_3(%arg0: i32) -> (i32, i32) {
    %c0_i32 = arith.constant 0 : i32
    %c0_i32_0 = arith.constant 0 : i32
    %c0_i32_1 = arith.constant 0 : i32
    return %c0_i32, %c0_i32_0 : i32, i32
  }
  func.func @transform_4(%arg0: i32) -> (i32, i32, i32) {
    %c0_i32 = arith.constant 0 : i32
    %c0_i32_0 = arith.constant 0 : i32
    %c0_i32_1 = arith.constant 0 : i32
    return %arg0, %c0_i32, %c0_i32_0 : i32, i32, i32
  }
}

module attributes {stable_mosaic.version = 14 : i64} {
  func.func @_conv_body(%arg0: i32, %arg1: memref<400x1024xbf16, #tpu.memory_space<vmem>>, %arg2: memref<1024x1024xbf16, #tpu.memory_space<vmem>>, %arg3: memref<1x1024xf32, #tpu.memory_space<vmem>>, %arg4: memref<1024x1024xbf16, #tpu.memory_space<vmem>>, %arg5: memref<1x1024xf32, #tpu.memory_space<vmem>>, %arg6: memref<64x64xf32, #tpu.memory_space<vmem>>, %arg7: memref<400x1024xbf16, #tpu.memory_space<vmem>>, %arg8: memref<400x64xf32, #tpu.memory_space<vmem>>) attributes {dimension_semantics = [#tpu.dimension_semantics<arbitrary>], iteration_bounds = array<i64: 25>, scalar_prefetch = 0 : i64, scratch_operands = 0 : i64, tpu.core_type = #tpu.core_type<tc>, window_params = [{transform_indices = @transform_0, window_bounds = array<i64: 400, 1024>}, {pipeline_mode = #tpu.pipeline_mode<synchronous>, transform_indices = @transform_1, window_bounds = array<i64: 1024, 1024>}, {pipeline_mode = #tpu.pipeline_mode<synchronous>, transform_indices = @transform_2, window_bounds = array<i64: 1, 1024>}, {pipeline_mode = #tpu.pipeline_mode<synchronous>, transform_indices = @transform_3, window_bounds = array<i64: 1024, 1024>}, {pipeline_mode = #tpu.pipeline_mode<synchronous>, transform_indices = @transform_4, window_bounds = array<i64: 1, 1024>}, {pipeline_mode = #tpu.pipeline_mode<synchronous>, transform_indices = @transform_5, window_bounds = array<i64: 64, 64>}, {transform_indices = @transform_6, window_bounds = array<i64: 400, 1024>}, {transform_indices = @transform_7, window_bounds = array<i64: 400, 64>}]} {
    %get3A = arith.constant 0 : index
    %get3A_0 = arith.constant 0 : index
    %get3A_1 = vector.load %arg1[%get3A, %get3A_0] : memref<400x1024xbf16, #tpu.memory_space<vmem>>, vector<400x1024xbf16>
    %get3A_2 = arith.constant 0 : index
    %get3A_3 = arith.constant 0 : index
    %get3A_4 = vector.load %arg2[%get3A_2, %get3A_3] : memref<1024x1024xbf16, #tpu.memory_space<vmem>>, vector<1024x1024xbf16>
    %dot_general3A = arith.constant dense<0.000000e+00> : vector<400x1024xf32>
    %dot_general3A_5 = tpu.matmul %get3A_1, %get3A_4, %dot_general3A {dimension_numbers = #tpu.dot_dimension_numbers<[1], [0], [0], [1], [0, 0, 1, 1], [], []>, transpose_lhs_hint = false} : vector<400x1024xbf16>, vector<1024x1024xbf16>, vector<400x1024xf32> -> vector<400x1024xf32>
    %get3A_6 = arith.constant 0 : index
    %get3A_7 = arith.constant 0 : index
    %get3A_8 = vector.load %arg3[%get3A_6, %get3A_7] : memref<1x1024xf32, #tpu.memory_space<vmem>>, vector<1x1024xf32>
    %add3A = vector.broadcast %get3A_8 : vector<1x1024xf32> to vector<400x1024xf32>
    %add3A_9 = arith.addf %dot_general3A_5, %add3A : vector<400x1024xf32>
    %max3A = arith.constant 0.000000e+00 : f32
    %max3A_10 = vector.broadcast %max3A : f32 to vector<400x1024xf32>
    %max3A_11 = arith.maximumf %add3A_9, %max3A_10 : vector<400x1024xf32>
    %convert_element_type3A = arith.truncf %max3A_11 : vector<400x1024xf32> to vector<400x1024xbf16>
    %get3A_12 = arith.constant 0 : index
    %get3A_13 = arith.constant 0 : index
    %get3A_14 = vector.load %arg4[%get3A_12, %get3A_13] : memref<1024x1024xbf16, #tpu.memory_space<vmem>>, vector<1024x1024xbf16>
    %dot_general3A_15 = arith.constant dense<0.000000e+00> : vector<400x1024xf32>
    %dot_general3A_16 = tpu.matmul %convert_element_type3A, %get3A_14, %dot_general3A_15 {dimension_numbers = #tpu.dot_dimension_numbers<[1], [0], [0], [1], [0, 0, 1, 1], [], []>, transpose_lhs_hint = false} : vector<400x1024xbf16>, vector<1024x1024xbf16>, vector<400x1024xf32> -> vector<400x1024xf32>
    %get3A_17 = arith.constant 0 : index
    %get3A_18 = arith.constant 0 : index
    %get3A_19 = vector.load %arg5[%get3A_17, %get3A_18] : memref<1x1024xf32, #tpu.memory_space<vmem>>, vector<1x1024xf32>
    %add3A_20 = vector.broadcast %get3A_19 : vector<1x1024xf32> to vector<400x1024xf32>
    %add3A_21 = arith.addf %dot_general3A_16, %add3A_20 : vector<400x1024xf32>
    %max3A_22 = arith.constant 0.000000e+00 : f32
    %max3A_23 = vector.broadcast %max3A_22 : f32 to vector<400x1024xf32>
    %max3A_24 = arith.maximumf %add3A_21, %max3A_23 : vector<400x1024xf32>
    %convert_element_type3A_25 = arith.truncf %max3A_24 : vector<400x1024xf32> to vector<400x1024xbf16>
    %swap3A = arith.constant 0 : index
    %swap3A_26 = arith.constant 0 : index
    %swap3A_27 = vector.load %arg7[%swap3A, %swap3A_26] : memref<400x1024xbf16, #tpu.memory_space<vmem>>, vector<400x1024xbf16>
    tpu.vector_store %arg7[%swap3A, %swap3A_26], %convert_element_type3A_25 {strides = array<i32>} : memref<400x1024xbf16, #tpu.memory_space<vmem>>, vector<400x1024xbf16>,
    %slice3A = vector.extract_strided_slice %max3A_24 {offsets = [0, 0], sizes = [400, 64], strides = [1, 1]} : vector<400x1024xf32> to vector<400x64xf32>
    %slice3A_28 = vector.extract_strided_slice %max3A_24 {offsets = [0, 64], sizes = [400, 64], strides = [1, 1]} : vector<400x1024xf32> to vector<400x64xf32>
    %add3A_29 = arith.addf %slice3A, %slice3A_28 : vector<400x64xf32>
    %slice3A_30 = vector.extract_strided_slice %max3A_24 {offsets = [0, 128], sizes = [400, 64], strides = [1, 1]} : vector<400x1024xf32> to vector<400x64xf32>
    %add3A_31 = arith.addf %add3A_29, %slice3A_30 : vector<400x64xf32>
    %slice3A_32 = vector.extract_strided_slice %max3A_24 {offsets = [0, 192], sizes = [400, 64], strides = [1, 1]} : vector<400x1024xf32> to vector<400x64xf32>
    %add3A_33 = arith.addf %add3A_31, %slice3A_32 : vector<400x64xf32>
    %slice3A_34 = vector.extract_strided_slice %max3A_24 {offsets = [0, 256], sizes = [400, 64], strides = [1, 1]} : vector<400x1024xf32> to vector<400x64xf32>
    %add3A_35 = arith.addf %add3A_33, %slice3A_34 : vector<400x64xf32>
    %slice3A_36 = vector.extract_strided_slice %max3A_24 {offsets = [0, 320], sizes = [400, 64], strides = [1, 1]} : vector<400x1024xf32> to vector<400x64xf32>
    %add3A_37 = arith.addf %add3A_35, %slice3A_36 : vector<400x64xf32>
    %slice3A_38 = vector.extract_strided_slice %max3A_24 {offsets = [0, 384], sizes = [400, 64], strides = [1, 1]} : vector<400x1024xf32> to vector<400x64xf32>
    %add3A_39 = arith.addf %add3A_37, %slice3A_38 : vector<400x64xf32>
    %slice3A_40 = vector.extract_strided_slice %max3A_24 {offsets = [0, 448], sizes = [400, 64], strides = [1, 1]} : vector<400x1024xf32> to vector<400x64xf32>
    %add3A_41 = arith.addf %add3A_39, %slice3A_40 : vector<400x64xf32>
    %slice3A_42 = vector.extract_strided_slice %max3A_24 {offsets = [0, 512], sizes = [400, 64], strides = [1, 1]} : vector<400x1024xf32> to vector<400x64xf32>
    %add3A_43 = arith.addf %add3A_41, %slice3A_42 : vector<400x64xf32>
    %slice3A_44 = vector.extract_strided_slice %max3A_24 {offsets = [0, 576], sizes = [400, 64], strides = [1, 1]} : vector<400x1024xf32> to vector<400x64xf32>
    %add3A_45 = arith.addf %add3A_43, %slice3A_44 : vector<400x64xf32>
    %slice3A_46 = vector.extract_strided_slice %max3A_24 {offsets = [0, 640], sizes = [400, 64], strides = [1, 1]} : vector<400x1024xf32> to vector<400x64xf32>
    %add3A_47 = arith.addf %add3A_45, %slice3A_46 : vector<400x64xf32>
    %slice3A_48 = vector.extract_strided_slice %max3A_24 {offsets = [0, 704], sizes = [400, 64], strides = [1, 1]} : vector<400x1024xf32> to vector<400x64xf32>
    %add3A_49 = arith.addf %add3A_47, %slice3A_48 : vector<400x64xf32>
    %slice3A_50 = vector.extract_strided_slice %max3A_24 {offsets = [0, 768], sizes = [400, 64], strides = [1, 1]} : vector<400x1024xf32> to vector<400x64xf32>
    %add3A_51 = arith.addf %add3A_49, %slice3A_50 : vector<400x64xf32>
    %slice3A_52 = vector.extract_strided_slice %max3A_24 {offsets = [0, 832], sizes = [400, 64], strides = [1, 1]} : vector<400x1024xf32> to vector<400x64xf32>
    %add3A_53 = arith.addf %add3A_51, %slice3A_52 : vector<400x64xf32>
    %slice3A_54 = vector.extract_strided_slice %max3A_24 {offsets = [0, 896], sizes = [400, 64], strides = [1, 1]} : vector<400x1024xf32> to vector<400x64xf32>
    %add3A_55 = arith.addf %add3A_53, %slice3A_54 : vector<400x64xf32>
    %slice3A_56 = vector.extract_strided_slice %max3A_24 {offsets = [0, 960], sizes = [400, 64], strides = [1, 1]} : vector<400x1024xf32> to vector<400x64xf32>
    %add3A_57 = arith.addf %add3A_55, %slice3A_56 : vector<400x64xf32>
    %mul3A = arith.constant 6.250000e-02 : f32
    %mul3A_58 = vector.broadcast %mul3A : f32 to vector<400x64xf32>
    %mul3A_59 = arith.mulf %add3A_57, %mul3A_58 : vector<400x64xf32>
    %get3A_60 = arith.constant 0 : index
    %get3A_61 = arith.constant 0 : index
    %get3A_62 = vector.load %arg6[%get3A_60, %get3A_61] : memref<64x64xf32, #tpu.memory_space<vmem>>, vector<64x64xf32>
    %dot_general3A_63 = arith.constant dense<0.000000e+00> : vector<400x64xf32>
    %dot_general3A_64 = tpu.matmul %mul3A_59, %get3A_62, %dot_general3A_63 {dimension_numbers = #tpu.dot_dimension_numbers<[1], [0], [0], [1], [0, 0, 1, 1], [], []>, transpose_lhs_hint = false} : vector<400x64xf32>, vector<64x64xf32>, vector<400x64xf32> -> vector<400x64xf32>
    %swap3A_65 = arith.constant 0 : index
    %swap3A_66 = arith.constant 0 : index
    %swap3A_67 = vector.load %arg8[%swap3A_65, %swap3A_66] : memref<400x64xf32, #tpu.memory_space<vmem>>, vector<400x64xf32>
    tpu.vector_store %arg8[%swap3A_65, %swap3A_66], %dot_general3A_64 {strides = array<i32>} : memref<400x64xf32, #tpu.memory_space<vmem>>, vector<400x64xf32>,
    return
  }
  func.func @transform_0(%arg0: i32) -> (i32, i32) {
    %c0_i32 = arith.constant 0 : i32
    %c0_i32_0 = arith.constant 0 : i32
    return %arg0, %c0_i32 : i32, i32
  }
  func.func @transform_1(%arg0: i32) -> (i32, i32) {
    %c0_i32 = arith.constant 0 : i32
    %c0_i32_0 = arith.constant 0 : i32
    %c0_i32_1 = arith.constant 0 : i32
    return %c0_i32, %c0_i32_0 : i32, i32
  }
  func.func @transform_2(%arg0: i32) -> (i32, i32) {
    %c0_i32 = arith.constant 0 : i32
    %c0_i32_0 = arith.constant 0 : i32
    %c0_i32_1 = arith.constant 0 : i32
    return %c0_i32, %c0_i32_0 : i32, i32
  }
  func.func @transform_3(%arg0: i32) -> (i32, i32) {
    %c0_i32 = arith.constant 0 : i32
    %c0_i32_0 = arith.constant 0 : i32
    %c0_i32_1 = arith.constant 0 : i32
    return %c0_i32, %c0_i32_0 : i32, i32
  }
  func.func @transform_4(%arg0: i32) -> (i32, i32) {
    %c0_i32 = arith.constant 0 : i32
    %c0_i32_0 = arith.constant 0 : i32
    %c0_i32_1 = arith.constant 0 : i32
    return %c0_i32, %c0_i32_0 : i32, i32
  }
  func.func @transform_5(%arg0: i32) -> (i32, i32) {
    %c0_i32 = arith.constant 0 : i32
    %c0_i32_0 = arith.constant 0 : i32
    %c0_i32_1 = arith.constant 0 : i32
    return %c0_i32, %c0_i32_0 : i32, i32
  }
  func.func @transform_6(%arg0: i32) -> (i32, i32) {
    %c0_i32 = arith.constant 0 : i32
    %c0_i32_0 = arith.constant 0 : i32
    return %arg0, %c0_i32 : i32, i32
  }
  func.func @transform_7(%arg0: i32) -> (i32, i32) {
    %c0_i32 = arith.constant 0 : i32
    %c0_i32_0 = arith.constant 0 : i32
    return %arg0, %c0_i32 : i32, i32
  }
}

module attributes {stable_mosaic.version = 14 : i64} {
  func.func @_comb0_body(%arg0: memref<2x10240x16xf32, #tpu.memory_space<vmem>>, %arg1: memref<10000x64xf32, #tpu.memory_space<vmem>>, %arg2: memref<10000x1xf32, #tpu.memory_space<vmem>>, %arg3: memref<10240x64xf32, #tpu.memory_space<vmem>>) attributes {dimension_semantics = [], scalar_prefetch = 0 : i64, scratch_operands = 0 : i64, tpu.core_type = #tpu.core_type<tc>} {
    %get3A = arith.constant 0 : index
    %get3A_0 = arith.constant 0 : index
    %get3A_1 = arith.constant 0 : index
    %get3A_2 = vector.load %arg0[%get3A, %get3A_0, %get3A_1] : memref<2x10240x16xf32, #tpu.memory_space<vmem>>, vector<1x10000x1xf32>
    %get3A_3 = vector.shape_cast %get3A_2 : vector<1x10000x1xf32> to vector<10000x1xf32>
    %get3A_4 = arith.constant 1 : index
    %get3A_5 = arith.constant 0 : index
    %get3A_6 = arith.constant 0 : index
    %get3A_7 = vector.load %arg0[%get3A_4, %get3A_5, %get3A_6] : memref<2x10240x16xf32, #tpu.memory_space<vmem>>, vector<1x10000x1xf32>
    %get3A_8 = vector.shape_cast %get3A_7 : vector<1x10000x1xf32> to vector<10000x1xf32>
    %add3A = arith.addf %get3A_3, %get3A_8 : vector<10000x1xf32>
    %add3A_9 = arith.constant 1.000000e+00 : f32
    %add3A_10 = vector.broadcast %add3A_9 : f32 to vector<10000x1xf32>
    %add3A_11 = arith.addf %add3A, %add3A_10 : vector<10000x1xf32>
    %rsqrt3A = math.rsqrt %add3A_11 : vector<10000x1xf32>
    %swap3A = arith.constant 0 : index
    %swap3A_12 = arith.constant 0 : index
    %swap3A_13 = vector.load %arg2[%swap3A, %swap3A_12] : memref<10000x1xf32, #tpu.memory_space<vmem>>, vector<10000x1xf32>
    tpu.vector_store %arg2[%swap3A, %swap3A_12], %rsqrt3A {strides = array<i32>} : memref<10000x1xf32, #tpu.memory_space<vmem>>, vector<10000x1xf32>,
    %get3A_14 = arith.constant 0 : index
    %get3A_15 = arith.constant 0 : index
    %get3A_16 = vector.load %arg1[%get3A_14, %get3A_15] : memref<10000x64xf32, #tpu.memory_space<vmem>>, vector<10000x64xf32>
    %mul3A = vector.broadcast %rsqrt3A : vector<10000x1xf32> to vector<10000x64xf32>
    %mul3A_17 = arith.mulf %mul3A, %get3A_16 : vector<10000x64xf32>
    %swap3A_18 = arith.constant 0 : index
    %swap3A_19 = arith.constant 0 : index
    %swap3A_20 = vector.load %arg3[%swap3A_18, %swap3A_19] : memref<10240x64xf32, #tpu.memory_space<vmem>>, vector<10000x64xf32>
    tpu.vector_store %arg3[%swap3A_18, %swap3A_19], %mul3A_17 {strides = array<i32>} : memref<10240x64xf32, #tpu.memory_space<vmem>>, vector<10000x64xf32>,
    %broadcast_in_dim3A = arith.constant 0.000000e+00 : f32
    %broadcast_in_dim3A_21 = vector.broadcast %broadcast_in_dim3A : f32 to vector<240x64xf32>
    %swap3A_22 = arith.constant 10000 : index
    %swap3A_23 = arith.constant 0 : index
    %swap3A_24 = vector.load %arg3[%swap3A_22, %swap3A_23] : memref<10240x64xf32, #tpu.memory_space<vmem>>, vector<240x64xf32>
    tpu.vector_store %arg3[%swap3A_22, %swap3A_23], %broadcast_in_dim3A_21 {strides = array<i32>} : memref<10240x64xf32, #tpu.memory_space<vmem>>, vector<240x64xf32>,
    return
  }
}

module attributes {stable_mosaic.version = 14 : i64} {
  func.func @_comb1_body(%arg0: memref<2x10240x64xf32, #tpu.memory_space<vmem>>, %arg1: memref<10240x64xf32, #tpu.memory_space<vmem>>, %arg2: memref<10000x1xf32, #tpu.memory_space<vmem>>, %arg3: memref<64x64xf32, #tpu.memory_space<vmem>>, %arg4: memref<1x64xf32, #tpu.memory_space<vmem>>, %arg5: memref<10240x64xf32, #tpu.memory_space<vmem>>) attributes {dimension_semantics = [], scalar_prefetch = 0 : i64, scratch_operands = 0 : i64, tpu.core_type = #tpu.core_type<tc>} {
    %get3A = arith.constant 0 : index
    %get3A_0 = arith.constant 0 : index
    %get3A_1 = vector.load %arg2[%get3A, %get3A_0] : memref<10000x1xf32, #tpu.memory_space<vmem>>, vector<10000x1xf32>
    %get3A_2 = arith.constant 0 : index
    %get3A_3 = arith.constant 0 : index
    %get3A_4 = arith.constant 0 : index
    %get3A_5 = vector.load %arg0[%get3A_2, %get3A_3, %get3A_4] : memref<2x10240x64xf32, #tpu.memory_space<vmem>>, vector<1x10000x64xf32>
    %get3A_6 = vector.shape_cast %get3A_5 : vector<1x10000x64xf32> to vector<10000x64xf32>
    %get3A_7 = arith.constant 1 : index
    %get3A_8 = arith.constant 0 : index
    %get3A_9 = arith.constant 0 : index
    %get3A_10 = vector.load %arg0[%get3A_7, %get3A_8, %get3A_9] : memref<2x10240x64xf32, #tpu.memory_space<vmem>>, vector<1x10000x64xf32>
    %get3A_11 = vector.shape_cast %get3A_10 : vector<1x10000x64xf32> to vector<10000x64xf32>
    %add3A = arith.addf %get3A_6, %get3A_11 : vector<10000x64xf32>
    %get3A_12 = arith.constant 0 : index
    %get3A_13 = arith.constant 0 : index
    %get3A_14 = vector.load %arg1[%get3A_12, %get3A_13] : memref<10240x64xf32, #tpu.memory_space<vmem>>, vector<10000x64xf32>
    %add3A_15 = arith.addf %add3A, %get3A_14 : vector<10000x64xf32>
    %mul3A = vector.broadcast %get3A_1 : vector<10000x1xf32> to vector<10000x64xf32>
    %mul3A_16 = arith.mulf %mul3A, %add3A_15 : vector<10000x64xf32>
    %get3A_17 = arith.constant 0 : index
    %get3A_18 = arith.constant 0 : index
    %get3A_19 = vector.load %arg4[%get3A_17, %get3A_18] : memref<1x64xf32, #tpu.memory_space<vmem>>, vector<1x64xf32>
    %add3A_20 = vector.broadcast %get3A_19 : vector<1x64xf32> to vector<10000x64xf32>
    %add3A_21 = arith.addf %mul3A_16, %add3A_20 : vector<10000x64xf32>
    %max3A = arith.constant 0.000000e+00 : f32
    %max3A_22 = vector.broadcast %max3A : f32 to vector<10000x64xf32>
    %max3A_23 = arith.maximumf %add3A_21, %max3A_22 : vector<10000x64xf32>
    %get3A_24 = arith.constant 0 : index
    %get3A_25 = arith.constant 0 : index
    %get3A_26 = vector.load %arg3[%get3A_24, %get3A_25] : memref<64x64xf32, #tpu.memory_space<vmem>>, vector<64x64xf32>
    %dot_general3A = arith.constant dense<0.000000e+00> : vector<10000x64xf32>
    %dot_general3A_27 = tpu.matmul %max3A_23, %get3A_26, %dot_general3A {dimension_numbers = #tpu.dot_dimension_numbers<[1], [0], [0], [1], [0, 0, 1, 1], [], []>, transpose_lhs_hint = false} : vector<10000x64xf32>, vector<64x64xf32>, vector<10000x64xf32> -> vector<10000x64xf32>
    %mul3A_28 = vector.broadcast %get3A_1 : vector<10000x1xf32> to vector<10000x64xf32>
    %mul3A_29 = arith.mulf %mul3A_28, %dot_general3A_27 : vector<10000x64xf32>
    %swap3A = arith.constant 0 : index
    %swap3A_30 = arith.constant 0 : index
    %swap3A_31 = vector.load %arg5[%swap3A, %swap3A_30] : memref<10240x64xf32, #tpu.memory_space<vmem>>, vector<10000x64xf32>
    tpu.vector_store %arg5[%swap3A, %swap3A_30], %mul3A_29 {strides = array<i32>} : memref<10240x64xf32, #tpu.memory_space<vmem>>, vector<10000x64xf32>,
    %broadcast_in_dim3A = arith.constant 0.000000e+00 : f32
    %broadcast_in_dim3A_32 = vector.broadcast %broadcast_in_dim3A : f32 to vector<240x64xf32>
    %swap3A_33 = arith.constant 10000 : index
    %swap3A_34 = arith.constant 0 : index
    %swap3A_35 = vector.load %arg5[%swap3A_33, %swap3A_34] : memref<10240x64xf32, #tpu.memory_space<vmem>>, vector<240x64xf32>
    tpu.vector_store %arg5[%swap3A_33, %swap3A_34], %broadcast_in_dim3A_32 {strides = array<i32>} : memref<10240x64xf32, #tpu.memory_space<vmem>>, vector<240x64xf32>,
    return
  }
}

module attributes {stable_mosaic.version = 14 : i64} {
  func.func @_final_body(%arg0: i32, %arg1: memref<400x16x64xbf16, #tpu.memory_space<vmem>>, %arg2: memref<2x400x64xf32, #tpu.memory_space<vmem>>, %arg3: memref<400x64xf32, #tpu.memory_space<vmem>>, %arg4: memref<400x1xf32, #tpu.memory_space<vmem>>, %arg5: memref<1x64xf32, #tpu.memory_space<vmem>>, %arg6: memref<64x128xbf16, #tpu.memory_space<vmem>>, %arg7: memref<1x128xf32, #tpu.memory_space<vmem>>, %arg8: memref<400x16x128xbf16, #tpu.memory_space<vmem>>) attributes {dimension_semantics = [#tpu.dimension_semantics<arbitrary>], iteration_bounds = array<i64: 25>, scalar_prefetch = 0 : i64, scratch_operands = 0 : i64, tpu.core_type = #tpu.core_type<tc>, window_params = [{transform_indices = @transform_0, window_bounds = array<i64: 400, 16, 64>}, {transform_indices = @transform_1, window_bounds = array<i64: 2, 400, 64>}, {transform_indices = @transform_2, window_bounds = array<i64: 400, 64>}, {transform_indices = @transform_3, window_bounds = array<i64: 400, 1>}, {pipeline_mode = #tpu.pipeline_mode<synchronous>, transform_indices = @transform_4, window_bounds = array<i64: 1, 64>}, {pipeline_mode = #tpu.pipeline_mode<synchronous>, transform_indices = @transform_5, window_bounds = array<i64: 64, 128>}, {pipeline_mode = #tpu.pipeline_mode<synchronous>, transform_indices = @transform_6, window_bounds = array<i64: 1, 128>}, {transform_indices = @transform_7, window_bounds = array<i64: 400, 16, 128>}]} {
    %get3A = arith.constant 0 : index
    %get3A_0 = arith.constant 0 : index
    %get3A_1 = vector.load %arg4[%get3A, %get3A_0] : memref<400x1xf32, #tpu.memory_space<vmem>>, vector<400x1xf32>
    %get3A_2 = arith.constant 0 : index
    %get3A_3 = arith.constant 0 : index
    %get3A_4 = arith.constant 0 : index
    %get3A_5 = vector.load %arg2[%get3A_2, %get3A_3, %get3A_4] : memref<2x400x64xf32, #tpu.memory_space<vmem>>, vector<1x400x64xf32>
    %get3A_6 = vector.shape_cast %get3A_5 : vector<1x400x64xf32> to vector<400x64xf32>
    %get3A_7 = arith.constant 1 : index
    %get3A_8 = arith.constant 0 : index
    %get3A_9 = arith.constant 0 : index
    %get3A_10 = vector.load %arg2[%get3A_7, %get3A_8, %get3A_9] : memref<2x400x64xf32, #tpu.memory_space<vmem>>, vector<1x400x64xf32>
    %get3A_11 = vector.shape_cast %get3A_10 : vector<1x400x64xf32> to vector<400x64xf32>
    %add3A = arith.addf %get3A_6, %get3A_11 : vector<400x64xf32>
    %get3A_12 = arith.constant 0 : index
    %get3A_13 = arith.constant 0 : index
    %get3A_14 = vector.load %arg3[%get3A_12, %get3A_13] : memref<400x64xf32, #tpu.memory_space<vmem>>, vector<400x64xf32>
    %add3A_15 = arith.addf %add3A, %get3A_14 : vector<400x64xf32>
    %mul3A = vector.broadcast %get3A_1 : vector<400x1xf32> to vector<400x64xf32>
    %mul3A_16 = arith.mulf %mul3A, %add3A_15 : vector<400x64xf32>
    %get3A_17 = arith.constant 0 : index
    %get3A_18 = arith.constant 0 : index
    %get3A_19 = vector.load %arg5[%get3A_17, %get3A_18] : memref<1x64xf32, #tpu.memory_space<vmem>>, vector<1x64xf32>
    %add3A_20 = vector.broadcast %get3A_19 : vector<1x64xf32> to vector<400x64xf32>
    %add3A_21 = arith.addf %mul3A_16, %add3A_20 : vector<400x64xf32>
    %max3A = arith.constant 0.000000e+00 : f32
    %max3A_22 = vector.broadcast %max3A : f32 to vector<400x64xf32>
    %max3A_23 = arith.maximumf %add3A_21, %max3A_22 : vector<400x64xf32>
    %convert_element_type3A = arith.truncf %max3A_23 : vector<400x64xf32> to vector<400x64xbf16>
    %get3A_24 = arith.constant 0 : index
    %get3A_25 = arith.constant 0 : index
    %get3A_26 = vector.load %arg6[%get3A_24, %get3A_25] : memref<64x128xbf16, #tpu.memory_space<vmem>>, vector<64x128xbf16>
    %dot_general3A = arith.constant dense<0.000000e+00> : vector<400x128xf32>
    %dot_general3A_27 = tpu.matmul %convert_element_type3A, %get3A_26, %dot_general3A {dimension_numbers = #tpu.dot_dimension_numbers<[1], [0], [0], [1], [0, 0, 1, 1], [], []>, transpose_lhs_hint = false} : vector<400x64xbf16>, vector<64x128xbf16>, vector<400x128xf32> -> vector<400x128xf32>
    %get3A_28 = arith.constant 0 : index
    %get3A_29 = arith.constant 0 : index
    %get3A_30 = vector.load %arg7[%get3A_28, %get3A_29] : memref<1x128xf32, #tpu.memory_space<vmem>>, vector<1x128xf32>
    %add3A_31 = vector.broadcast %get3A_30 : vector<1x128xf32> to vector<400x128xf32>
    %add3A_32 = arith.addf %dot_general3A_27, %add3A_31 : vector<400x128xf32>
    %get3A_33 = arith.constant 0 : index
    %get3A_34 = arith.constant 0 : index
    %get3A_35 = arith.constant 0 : index
    %get3A_36 = vector.load %arg1[%get3A_33, %get3A_34, %get3A_35] : memref<400x16x64xbf16, #tpu.memory_space<vmem>>, vector<400x16x64xbf16>
    %reshape3A = vector.shape_cast %get3A_36 : vector<400x16x64xbf16> to vector<6400x64xbf16>
    %get3A_37 = arith.constant 0 : index
    %get3A_38 = arith.constant 0 : index
    %get3A_39 = vector.load %arg6[%get3A_37, %get3A_38] : memref<64x128xbf16, #tpu.memory_space<vmem>>, vector<64x128xbf16>
    %dot_general3A_40 = arith.constant dense<0.000000e+00> : vector<6400x128xf32>
    %dot_general3A_41 = tpu.matmul %reshape3A, %get3A_39, %dot_general3A_40 {dimension_numbers = #tpu.dot_dimension_numbers<[1], [0], [0], [1], [0, 0, 1, 1], [], []>, transpose_lhs_hint = false} : vector<6400x64xbf16>, vector<64x128xbf16>, vector<6400x128xf32> -> vector<6400x128xf32>
    %reshape3A_42 = vector.shape_cast %dot_general3A_41 : vector<6400x128xf32> to vector<400x16x128xf32>
    %broadcast_in_dim3A = vector.shape_cast %add3A_32 : vector<400x128xf32> to vector<400x1x128xf32>
    %add3A_43 = vector.broadcast %broadcast_in_dim3A : vector<400x1x128xf32> to vector<400x16x128xf32>
    %add3A_44 = arith.addf %reshape3A_42, %add3A_43 : vector<400x16x128xf32>
    %convert_element_type3A_45 = arith.truncf %add3A_44 : vector<400x16x128xf32> to vector<400x16x128xbf16>
    %swap3A = arith.constant 0 : index
    %swap3A_46 = arith.constant 0 : index
    %swap3A_47 = arith.constant 0 : index
    %swap3A_48 = vector.load %arg8[%swap3A, %swap3A_46, %swap3A_47] : memref<400x16x128xbf16, #tpu.memory_space<vmem>>, vector<400x16x128xbf16>
    tpu.vector_store %arg8[%swap3A, %swap3A_46, %swap3A_47], %convert_element_type3A_45 {strides = array<i32>} : memref<400x16x128xbf16, #tpu.memory_space<vmem>>, vector<400x16x128xbf16>,
    return
  }
  func.func @transform_0(%arg0: i32) -> (i32, i32, i32) {
    %c0_i32 = arith.constant 0 : i32
    %c0_i32_0 = arith.constant 0 : i32
    %c0_i32_1 = arith.constant 0 : i32
    return %arg0, %c0_i32, %c0_i32_0 : i32, i32, i32
  }
  func.func @transform_1(%arg0: i32) -> (i32, i32, i32) {
    %c0_i32 = arith.constant 0 : i32
    %c0_i32_0 = arith.constant 0 : i32
    %c0_i32_1 = arith.constant 0 : i32
    return %c0_i32, %arg0, %c0_i32_0 : i32, i32, i32
  }
  func.func @transform_2(%arg0: i32) -> (i32, i32) {
    %c0_i32 = arith.constant 0 : i32
    %c0_i32_0 = arith.constant 0 : i32
    return %arg0, %c0_i32 : i32, i32
  }
  func.func @transform_3(%arg0: i32) -> (i32, i32) {
    %c0_i32 = arith.constant 0 : i32
    %c0_i32_0 = arith.constant 0 : i32
    return %arg0, %c0_i32 : i32, i32
  }
  func.func @transform_4(%arg0: i32) -> (i32, i32) {
    %c0_i32 = arith.constant 0 : i32
    %c0_i32_0 = arith.constant 0 : i32
    %c0_i32_1 = arith.constant 0 : i32
    return %c0_i32, %c0_i32_0 : i32, i32
  }
  func.func @transform_5(%arg0: i32) -> (i32, i32) {
    %c0_i32 = arith.constant 0 : i32
    %c0_i32_0 = arith.constant 0 : i32
    %c0_i32_1 = arith.constant 0 : i32
    return %c0_i32, %c0_i32_0 : i32, i32
  }
  func.func @transform_6(%arg0: i32) -> (i32, i32) {
    %c0_i32 = arith.constant 0 : i32
    %c0_i32_0 = arith.constant 0 : i32
    %c0_i32_1 = arith.constant 0 : i32
    return %c0_i32, %c0_i32_0 : i32, i32
  }
  func.func @transform_7(%arg0: i32) -> (i32, i32, i32) {
    %c0_i32 = arith.constant 0 : i32
    %c0_i32_0 = arith.constant 0 : i32
    %c0_i32_1 = arith.constant 0 : i32
    return %arg0, %c0_i32, %c0_i32_0 : i32, i32, i32
  }
}

</mosaic_0001>

<sc_bundles>
// kernel: kernel.10.cloned.1.call-start
scs
__scs_entry_jumppad:
0x0: {  	(pc) =	sbr.rel $0x88, $3  }
0x1: {  	(tag) =	ssettag $0x0;
	lr =	simm.s32 $0x1  }
0x2: {  	[smem:$0x3F8C] =	sst lr;
	_ =	strace $0xD0000000  }
0x3: {  	_ = 	snop  }
0x4: {  	_ = 	snop  }
0x5: {  	_ = 	snop  }
0x6: {  	_ = 	snop  }
0x7: {  	_ = 	snop  }
__scs_overlays_trampoline_lowered:
0x8: {  	[smem:$0x3F9B] =	sst s0  }
0x9: {  	[smem:$0x3F9C] =	sst s1  }
0xa: {  	[smem:$0x3F9D] =	sst s2  }
0xb: {  	[smem:$0x3F9E] =	sst s3  }
0xc: {  	[smem:$0x3F9F] =	sst s4  }
0xd: {  	[smem:$0x3FA0] =	sst s5  }
0xe: {  	[smem:$0x3FA1] =	sst s6  }
0xf: {  	[smem:$0x3FA2] =	sst s7  }
0x10: {  	[smem:$0x3FA3] =	sst s8  }
0x11: {  	[smem:$0x3FA4] =	sst s9;
	s0 =	simm.s32 @!p0 $0x0  }
0x12: {  	s1 =	sld [smem:$0x3F8A];
	s0 =	simm.s32 @p0 $0x1  }
0x13: {  	[smem:$0x3FA5] =	sst s0;
	s0 =	simm.s32 @!p1 $0x0  }
0x14: {  	s2 =	sld [smem:$0x3F89];
	s0 =	simm.s32 @p1 $0x1  }
0x15: {  	[smem:$0x3FA6] =	sst s0;
	s0 =	simm.s32 @!p2 $0x0  }
0x16: {  	s3 =	sld [smem:$0x3FDB];
	s0 =	simm.s32 @p2 $0x1  }
0x17: {  	s4 =	simm.s32 $0x1BF5;
	[smem:$0x3FA8] =	sst s0  }
0x18: {  	s0 =	sld [smem:$0x3F8B];
	_ =	swait.ge [sflag:s4], $0x0  }
0x19: {  	s7 =	sld [smem:$0x3F8C]  }
0x1a: {  	s8 =	sadd.s32 $0xFFFFE003, lr  }
0x1b: {  	s9 =	sadd.s32 $0xFFFFFEF7, lr;
	s5 =	simm.s32 $0xFFFFFFFF;
	p2 =	slt.u32 s8, $0xFFFFF086  }
0x1c: {  	p1 =	slt.u32 s9, $0xF7A;
	s5 =	simm.s32 @!p2 $0x0  }
0x1d: {  	s5 =	simm.s32 @p1 $0x1;
	p0 =	seq.s32 s7, s2  }
0x1e: {  	s7 =	smul.u32 @!p0 $0xF7A, s2;
	p2 =	seq.s32 @!p0 s5, $0x0  }
0x1f: {  	s9 =	smul.u32 $0xF7A, s1;
	s8 =	simm.s32 @!p0 $0x1BF5;
	p2 =	por !p2, p0  }
0x20: {  	[sflag:s8] =	ssyncset.s32 @!p0 $0xFFFFF086;
	s6 =	sadd.s32 @!p0 s3, s7;
	s7 =	simm.s32 @!p0 $0x108  }
0x21: {  	s3 =	sadd.s32 s3, s9;
	s6 =	sadd.s32 @!p0 $0x88, s6;
	s7 =	simm.s32 @p2 $0x1082  }
0x22: {  	[simem:s7], [sflag:s8] =	dma.local @!p0 [hbm:s6], $0xF7A  }
0x23: {  	s9 =	sor.u32 $0xD0000000, s2;
	s6 =	simm.s32 $0x108;
	_ =	swait.ge @!p0 [sflag:s8], $0x0  }
0x24: {  	s3 =	sadd.s32 $0x88, s3;
	s6 =	simm.s32 @!p1 $0x1082;
	[sflag:s4] =	ssyncset.s32 $0xFFFFF086  }
0x25: {  	[simem:s6], [sflag:s4] =	dma.local [hbm:s3], $0xF7A  }
0x26: {  	[smem:$0x3F8C] =	sst s1;
	(tag) =	ssettag s2;
	_ =	strace s9  }
0x27: {  	s1 =	sld [smem:$0x3F9C]  }
0x28: {  	s2 =	sld [smem:$0x3F9D]  }
0x29: {  	s4 =	sld [smem:$0x3F9F]  }
0x2a: {  	p0 =	seq.s32 s5, $0x0;
	s5 =	sld [smem:$0x3FA0]  }
0x2b: {  	s6 =	sld [smem:$0x3FA1]  }
0x2c: {  	s7 =	sld [smem:$0x3FA2]  }
0x2d: {  	s3 =	simm.s32 $0x108;
	s8 =	sld [smem:$0x3FA3]  }
0x2e: {  	s3 =	simm.s32 @!p0 $0x1082;
	s9 =	sld [smem:$0x3FA4]  }
0x2f: {  	lr =	sadd.s32 s0, s3;
	s0 =	sld [smem:$0x3F9B]  }
0x30: {  	s3 =	sld [smem:$0x3F9E]  }
0x31: {  	[smem:$0x3FA7] =	sst s10  }
0x32: {  	s10 =	sld [smem:$0x3FA5];
	_ =	sdelay $0x3  }
0x33: {  	p0 =	seq.s32 s10, $0x1;
	s10 =	sld [smem:$0x3FA7];
	_ =	sdelay $0x3  }
0x34: {  	[smem:$0x3FA7] =	sst s10  }
0x35: {  	s10 =	sld [smem:$0x3FA6];
	_ =	sdelay $0x3  }
0x36: {  	p1 =	seq.s32 s10, $0x1;
	s10 =	sld [smem:$0x3FA7];
	_ =	sdelay $0x3  }
0x37: {  	[smem:$0x3FA7] =	sst s10  }
0x38: {  	s10 =	sld [smem:$0x3FA8]  }
0x39: {  	_ = 	snop;
	(pc) =	sbr.ind lr, $3  }
0x3a: {  	_ = 	snop  }
0x3b: {  	_ = 	snop  }
0x3c: {  	p2 =	seq.s32 s10, $0x1;
	s10 =	sld [smem:$0x3FA7]  }
0x3d: {  	_ =	shalt  }
0x3e: {  	_ =	shalt  }
0x3f: {  	_ =	shalt  }
0x40: {  	_ =	shalt  }
0x41: {  	_ =	shalt  }
0x42: {  	_ =	shalt  }
0x43: {  	_ =	shalt  }
0x44: {  	_ =	shalt  }
0x45: {  	_ =	shalt  }
0x46: {  	_ =	shalt  }
0x47: {  	_ =	shalt  }
0x48: {  	_ =	shalt  }
0x49: {  	_ =	shalt  }
0x4a: {  	_ =	shalt  }
0x4b: {  	_ =	shalt  }
0x4c: {  	_ =	shalt  }
0x4d: {  	_ =	shalt  }
0x4e: {  	_ =	shalt  }
0x4f: {  	_ =	shalt  }
0x50: {  	_ =	shalt  }
0x51: {  	_ =	shalt  }
0x52: {  	_ =	shalt  }
0x53: {  	_ =	shalt  }
0x54: {  	_ =	shalt  }
0x55: {  	_ =	shalt  }
0x56: {  	_ =	shalt  }
0x57: {  	_ =	shalt  }
0x58: {  	_ =	shalt  }
0x59: {  	_ =	shalt  }
0x5a: {  	_ =	shalt  }
0x5b: {  	_ =	shalt  }
0x5c: {  	_ =	shalt  }
0x5d: {  	_ =	shalt  }
0x5e: {  	_ =	shalt  }
0x5f: {  	_ =	shalt  }
0x60: {  	_ =	shalt  }
0x61: {  	_ =	shalt  }
0x62: {  	_ =	shalt  }
0x63: {  	_ =	shalt  }
0x64: {  	_ =	shalt  }
0x65: {  	_ =	shalt  }
0x66: {  	_ =	shalt  }
0x67: {  	_ =	shalt  }
0x68: {  	_ =	shalt  }
0x69: {  	_ =	shalt  }
0x6a: {  	_ =	shalt  }
0x6b: {  	_ =	shalt  }
0x6c: {  	_ =	shalt  }
0x6d: {  	_ =	shalt  }
0x6e: {  	_ =	shalt  }
0x6f: {  	_ =	shalt  }
0x70: {  	_ =	shalt  }
0x71: {  	_ =	shalt  }
0x72: {  	_ =	shalt  }
0x73: {  	_ =	shalt  }
0x74: {  	_ =	shalt  }
0x75: {  	_ =	shalt  }
0x76: {  	_ =	shalt  }
0x77: {  	_ =	shalt  }
0x78: {  	_ =	shalt  }
0x79: {  	_ =	shalt  }
0x7a: {  	_ =	shalt  }
0x7b: {  	_ =	shalt  }
0x7c: {  	_ =	shalt  }
0x7d: {  	_ =	shalt  }
0x7e: {  	_ =	shalt  }
0x7f: {  	_ =	shalt  }
0x80: {  	_ =	shalt  }
0x81: {  	_ =	shalt  }
0x82: {  	_ =	shalt  }
0x83: {  	_ =	shalt  }
0x84: {  	_ =	shalt  }
0x85: {  	_ =	shalt  }
0x86: {  	_ =	shalt  }
0x87: {  	_ =	shalt  }
.Lfunc_end0:
.L_simem_size_0:
called_computation_lowered:
.L_overlay_start_0:
0x88: {  	s2 =	sld [smem:$0x3FD9]  }
0x89: {  	s3 =	sld [smem:$0x3FFE];
	_ =	sdelay $0x1  }
0x8a: {  	s1 =	srdreg.scid  }
0x8b: {  	s0 =	sand.u32 $0x1, s1  }
0x8c: {  	s16 =	sshll.u32 s0, $0xA;
	s2 =	sadd.s32 s3, s2  }
0x8d: {  	s2 =	sadd.s32 s2, s16  }
0x8e: {  	[smem:$0x3FB3] =	sst s2  }
0x8f: {  	_ = 	snop  }
0x90: {  	(tm) =	ssettm $0x1  }
0x91: {  	s17 =	sld [smem:$0x3FFB];
	_ =	sdelay $0x3  }
0x92: {  	_ =	strace s17  }
0x93: {  	s2 =	sld [smem:$0x3FFC];
	_ =	sdelay $0x3  }
0x94: {  	_ =	strace s2  }
0x95: {  	s2 =	sld [smem:$0x3FFD];
	_ =	sdelay $0x3  }
0x96: {  	_ =	strace s2  }
0x97: {  	_ =	strace $0x8FFFFFFF  }
0x98: {  	s18 =	sld [smem:$0x3FDB];
	_ =	sdelay $0x1  }
0x99: {  	s19 =	simm.s32 $_scs_section_size  }
0x9a: {  	s4 =	simm.s32 $_size__tile_overlayer_lowered;
	s5 =	simm.s32 $_tile_overlayer_lowered  }
0x9b: {  	s22 =	simm.s32 $0x1BFF;
	s21 =	sshll.u32 s5, $0x1;
	s2 =	sadd.s32 s19, s18  }
0x9c: {  	s6 =	simm.s32 $0x0;
	s20 =	sshll.u32 s4, $0x1;
	s4 =	sadd.s32 s21, s2  }
0x9d: {  	[timem:s6], [sflag:s22] =	dma.local [hbm:s4], s20  }
0x9e: {  	_ =	swait.ge [sflag:s22], s20  }
0x9f: {  	s3 =	ssub.s32 $0x0, s20;
	[sflag:s22] =	ssyncset.done $0x0  }
0xa0: {  	[sflag:s22] =	ssyncadd.s32 s3;
	_ =	sdelay $0x1  }
0xa1: {  	s23 =	simm.s32 $0x1B8B  }
0xa2: {  	_ =	swait.ge [sflag:s23], $0x1  }
0xa3: {  	[sflag:s23] =	ssyncset.done $0x0  }
0xa4: {  	s25 =	simm.s32 $0x1B8E;
	s24 =	sld [smem:$0x3FFE];
	[sflag:s23] =	ssyncadd.s32 $0xFFFFFFFF  }
0xa5: {  	s26 =	simm.s32 $execute0_lowered;
	[smem:$0x3FD2] =	sst s25  }
0xa6: {  	s4 =	sshll.u32 s26, $0x1;
	_ =	strace $0x80000046;
	[dreg:$0x1] =	wrdreg $0xFFFFFFFF  }
0xa7: {  	s28 =	simm.s32 $_size_execute0_lowered;
	s2 =	sadd.s32 s2, s4;
	[dreg:$0x0] =	wrdreg $0x0  }
0xa8: {  	s4 =	sshll.u32 s28, $0x1;
	[dreg:$0x2] =	wrdreg s2  }
0xa9: {  	[dreg:$0x3] =	wrdreg s4  }
0xaa: {  	[dreg:$0x4] =	wrdreg $0xC0  }
0xab: {  	_ =	task [dreg:s6], $0x5FFFF  }
0xac: {  	[dreg:$0x1] =	wrdreg $0xFFFFFFFF  }
0xad: {  	[dreg:$0x0] =	wrdreg $0x60  }
0xae: {  	[dreg:$0x2] =	wrdreg s24  }
0xaf: {  	[dreg:$0x3] =	wrdreg $0x38000  }
0xb0: {  	[dreg:$0x4] =	wrdreg $0x9  }
0xb1: {  	_ =	task.clear_ibuf [dreg:s6], $0x5FFFF;
	_ =	strace $0x90000046  }
0xb2: {  	s29 =	simm.s32 $0x9;
	_ =	strace $0x80000048  }
0xb3: {  	_ =	swait.ge [sflag:s29], $0x1  }
0xb4: {  	[sflag:s29] =	ssyncadd.s32 $0xFFFFFFFF  }
0xb5: {  	_ =	strace $0x90000048  }
0xb6: {  	_ =	sfence  }
0xb7: {  	s30 =	sld [smem:$0x0];
	_ =	sdelay $0x2  }
0xb8: {  	s31 =	sshll.u32 s1, $0xD;
	s1 =	sshrl.u32 s1, $0x2  }
0xb9: {  	s3 =	sand.u32 $0x4000, s31;
	s1 =	sadd.s32 s1, s30  }
0xba: {  	s0 =	sor.u32 s3, s0;
	s1 =	sshll.u32 s1, $0x11  }
0xbb: {  	s0 =	sor.u32 s1, s0  }
0xbc: {  	s0 =	sadd.s32 $0x8F2B, s0  }
0xbd: {  	[sflag:s0] =	ssyncadd.remote.s32 $0x1  }
0xbe: {  	_ =	sfence.sel $0xFFFF  }
0xbf: {  	[dreg:$0x0] =	wrdreg $0xFFFFFFFF;
	(pc) =	sbr.abs _section_cstart, $3  }
0xc0: {  	[dreg:$0x1] =	wrdreg $0xFFFFFFFF  }
0xc1: {  	_ =	task.clear_ibuf [dreg:s6], $0x2FFFF;
	_ =	strace $0x9FFFFFFF  }
0xc2: {  	(tm) =	ssettm $0x7FFFFFFF  }
0xc3: {  	_ =	shalt  }
tec
execute0_lowered:
.L_overlay_start_1:
0x0: {  	(tag) =	ssettag $0x1  }
0x1: {  	s6 =	rddreg [dreg:$0x0]  }
0x2: {  	s0 =	srdreg.scid;
	s2 =	rddreg [dreg:$0x1];
	s3 =	simm.s32 $0x0  }
0x3: {  	s12 =	simm.s32 $0x2800;
	s5 =	sand.u32 $0x1, s0;
	s0 =	stileid.u32  }
0x4: {  	s13 =	simm.s32 $0x100;
	s14 =	simm.s32 $0x0;
	s7 =	smul.u32 $0x2800, s0  }
0x5: {  	[smem:$0x7FF] =	sst s3;
	s1 =	sshll.u32 s5, $0x4;
	s8 =	smul.u32 $0x28000, s5  }
0x6: {  	s10 =	ssub.s32 $0x2, s5;
	s5 =	sadd.s32 $0x17A00, s6;
	s1 =	sor.u32 s0, s1  }
0x7: {  	s31 =	sshll.u32 s0, $0x6;
	s30 =	sshrl.u32 s10, $0x1;
	s4 =	smul.u32 $0x500, s1  }
0x8: {  	s1 =	rddreg [dreg:$0x2];
	_ =	strace $0x80000047;
	s8 =	sadd.s32 s7, s8  }
0x9: {  	s10 =	ssub.s32 s10, s30;
	s11 =	sadd.s32 s7, s2;
	s8 =	sshrl.u32 s8, $0x3  }
0xa: {  	s9 =	sadd.s32 s4, s6;
	s4 =	sadd.s32 $0x17800, s6;
	s8 =	sadd.s32 s8, s6  }
0xb: {  	s6 =	sor.u32 $0x1C01, s31;
	s7 =	sadd.s32 $0xD800, s9;
	s8 =	sadd.s32 $0x18000, s8  }
0xc: {  	s9 =	smax.u32 s10, $0x1;
	s10 =	sshrl.u32 s11, $0x3;
	s11 =	simm.s32 $0x1  }
.LBB2_1:
0xd: {  	[spmem:s10], [sflag:s6] =	dma.local [hbm:s5], $0x500  }
0xe: {  	_ =	swait.ge [sflag:s11], $0x500  }
0xf: {  	[sflag:s11] =	ssyncset.done $0x0  }
0x10: {  	[sflag:s11] =	ssyncadd.s32 $0xFFFFFB00  }
0x11: {  	[tilespmem:s12], [sflag:$0x1] =	stream.linear.gather [hbm4b:s4+s3], $0x1000, $0x38;
	[tilespmem:$0x6000] =	vst v63  }
0x12: {  	_ =	swait.ge [sflag:s11], $0x1000  }
0x13: {  	[sflag:s11] =	ssyncset.done $0x0  }
0x14: {  	[sflag:s11] =	ssyncadd.s32 $0xFFFFF000  }
0x15: {  	[tilespmem:s3], [sflag:$0x1] =	stream.linear.gather [hbm4b:s7+s3], $0x2800, $0x38;
	[tilespmem:$0x6000] =	vst v63  }
0x16: {  	_ =	swait.ge [sflag:s11], $0x2800  }
0x17: {  	[sflag:s11] =	ssyncset.done $0x0  }
0x18: {  	[sflag:s11] =	ssyncadd.s32 $0xFFFFD800  }
0x19: {  	s15 =	simm.s32 $0x0;
	[bflag:$0x0] =	sbarrier.arrive $0xFFFF  }
0x1a: {  	[spmem:s2] =	stream.indirect.scatter.add.f32 [tilespmem:s12], [sflag:$0x1], $0x10, s15, s13, $0xb8;
	[tilespmem:$0x6000] =	vst v63  }
0x1b: {  	_ =	swait.ge [sflag:s11], $0x1000  }
0x1c: {  	s15 =	simm.s32 $0x400;
	[sflag:s11] =	ssyncset.done $0x0  }
.LBB2_2:
0x1d: {  	s16 =	sshra.s32 s15, $0x2;
	[sflag:s11] =	ssyncadd.s32 $0xFFFFF000;
	p0 =	sne.s32 s15, $0x9C00  }
0x1e: {  	[spmem:s2] =	stream.indirect.scatter.add.f32 [tilespmem:s12], [sflag:$0x1], $0x10, s16, s13, $0xb8;
	[tilespmem:$0x6000] =	vst v63  }
.Ltmp0:
0x1f: {  	_ = 	snop;
	(pc) =	sbr.rel @p0 .LBB2_2-.Ltmp0, $4  }
0x20: {  	_ = 	snop  }
0x21: {  	s15 =	sadd.s32 $0x400, s15  }
0x22: {  	_ =	swait.ge [sflag:s11], $0x1000  }
0x23: {  	[sflag:s11] =	ssyncset.done $0x0  }
0x24: {  	s14 =	sadd.s32 $0x1, s14  }
0x25: {  	[sflag:s11] =	ssyncadd.s32 $0xFFFFF000;
	p0 =	sne.s32 s14, s9  }
.Ltmp1:
0x26: {  	[bflag:$0x0] =	sbarrier.arrive $0xFFFF;
	(pc) =	sbr.rel @p0 .LBB2_1-.Ltmp1, $4  }
0x27: {  	[hbm:s8], [sflag:s6] =	dma.local [spmem:s10], $0x500  }
0x28: {  	_ =	swait.ge [sflag:s11], $0x500  }
0x29: {  	[sflag:s11] =	ssyncset.done $0x0  }
0x2a: {  	[sflag:s11] =	ssyncadd.s32 $0xFFFFFB00  }
0x2b: {  	_ =	sfence.sel $0x180000  }
0x2c: {  	[bflag:$0x0] =	sbarrier.arrive $0xFFFF  }
0x2d: {  	p0 =	sne.s32 s0, $0x0;
	_ =	strace $0x90000047  }
0x2e: {  	s0 =	sadd.s32 @!p0 $0x100000, s1;
	[bflag:$0x2] =	sbarrier.arrive $0xFFFF  }
0x2f: {  	[sflag:s0] =	ssyncadd.tile.s32 @!p0 $0x1;
	_ =	shalt  }
.Lfunc_end2:
_tile_overlayer_lowered:
.L_overlay_start_2:
0x30: {  	(tag) =	ssettag $0x2  }
0x31: {  	s0 =	rddreg [dreg:$0x0];
	s2 =	stileid.u32  }
0x32: {  	s1 =	rddreg [dreg:$0x1];
	p0 =	sne.s32 s2, $0x0  }
0x33: {  	s3 =	rddreg [dreg:$0x2];
	[bflag:$0x3] =	sbarrier.arrive $0xFFFF;
	s2 =	simm.s32 @!p0 $0x1C01  }
0x34: {  	[timem:s3], [sflag:s2] =	dma.local @!p0 [hbm:s0], s1  }
0x35: {  	s0 =	simm.s32 @!p0 $0x1  }
0x36: {  	_ =	swait.ge @!p0 [sflag:s0], s1  }
0x37: {  	s1 =	ssub.s32 @!p0 $0x0, s1;
	[sflag:s0] =	ssyncset.done @!p0 $0x0  }
0x38: {  	[sflag:s0] =	ssyncadd.s32 @!p0 s1  }
0x39: {  	[bflag:$0x3] =	sbarrier.arrive $0xFFFF  }
0x3a: {  	_ =	shalt  }

// kernel: kernel.13.cloned.1.call-start
scs
__scs_entry_jumppad:
0x0: {  	(pc) =	sbr.rel $0x88, $3  }
0x1: {  	(tag) =	ssettag $0x0;
	lr =	simm.s32 $0x1  }
0x2: {  	[smem:$0x3F8C] =	sst lr;
	_ =	strace $0xD0000000  }
0x3: {  	_ = 	snop  }
0x4: {  	_ = 	snop  }
0x5: {  	_ = 	snop  }
0x6: {  	_ = 	snop  }
0x7: {  	_ = 	snop  }
__scs_overlays_trampoline_lowered:
0x8: {  	[smem:$0x3F9B] =	sst s0  }
0x9: {  	[smem:$0x3F9C] =	sst s1  }
0xa: {  	[smem:$0x3F9D] =	sst s2  }
0xb: {  	[smem:$0x3F9E] =	sst s3  }
0xc: {  	[smem:$0x3F9F] =	sst s4  }
0xd: {  	[smem:$0x3FA0] =	sst s5  }
0xe: {  	[smem:$0x3FA1] =	sst s6  }
0xf: {  	[smem:$0x3FA2] =	sst s7  }
0x10: {  	[smem:$0x3FA3] =	sst s8  }
0x11: {  	[smem:$0x3FA4] =	sst s9;
	s0 =	simm.s32 @!p0 $0x0  }
0x12: {  	s1 =	sld [smem:$0x3F8A];
	s0 =	simm.s32 @p0 $0x1  }
0x13: {  	[smem:$0x3FA5] =	sst s0;
	s0 =	simm.s32 @!p1 $0x0  }
0x14: {  	s2 =	sld [smem:$0x3F89];
	s0 =	simm.s32 @p1 $0x1  }
0x15: {  	[smem:$0x3FA6] =	sst s0;
	s0 =	simm.s32 @!p2 $0x0  }
0x16: {  	s3 =	sld [smem:$0x3FDB];
	s0 =	simm.s32 @p2 $0x1  }
0x17: {  	s4 =	simm.s32 $0x1BF5;
	[smem:$0x3FA8] =	sst s0  }
0x18: {  	s0 =	sld [smem:$0x3F8B];
	_ =	swait.ge [sflag:s4], $0x0  }
0x19: {  	s7 =	sld [smem:$0x3F8C]  }
0x1a: {  	s8 =	sadd.s32 $0xFFFFE003, lr  }
0x1b: {  	s9 =	sadd.s32 $0xFFFFFEF7, lr;
	s5 =	simm.s32 $0xFFFFFFFF;
	p2 =	slt.u32 s8, $0xFFFFF086  }
0x1c: {  	p1 =	slt.u32 s9, $0xF7A;
	s5 =	simm.s32 @!p2 $0x0  }
0x1d: {  	s5 =	simm.s32 @p1 $0x1;
	p0 =	seq.s32 s7, s2  }
0x1e: {  	s7 =	smul.u32 @!p0 $0xF7A, s2;
	p2 =	seq.s32 @!p0 s5, $0x0  }
0x1f: {  	s9 =	smul.u32 $0xF7A, s1;
	s8 =	simm.s32 @!p0 $0x1BF5;
	p2 =	por !p2, p0  }
0x20: {  	[sflag:s8] =	ssyncset.s32 @!p0 $0xFFFFF086;
	s6 =	sadd.s32 @!p0 s3, s7;
	s7 =	simm.s32 @!p0 $0x108  }
0x21: {  	s3 =	sadd.s32 s3, s9;
	s6 =	sadd.s32 @!p0 $0x88, s6;
	s7 =	simm.s32 @p2 $0x1082  }
0x22: {  	[simem:s7], [sflag:s8] =	dma.local @!p0 [hbm:s6], $0xF7A  }
0x23: {  	s9 =	sor.u32 $0xD0000000, s2;
	s6 =	simm.s32 $0x108;
	_ =	swait.ge @!p0 [sflag:s8], $0x0  }
0x24: {  	s3 =	sadd.s32 $0x88, s3;
	s6 =	simm.s32 @!p1 $0x1082;
	[sflag:s4] =	ssyncset.s32 $0xFFFFF086  }
0x25: {  	[simem:s6], [sflag:s4] =	dma.local [hbm:s3], $0xF7A  }
0x26: {  	[smem:$0x3F8C] =	sst s1;
	(tag) =	ssettag s2;
	_ =	strace s9  }
0x27: {  	s1 =	sld [smem:$0x3F9C]  }
0x28: {  	s2 =	sld [smem:$0x3F9D]  }
0x29: {  	s4 =	sld [smem:$0x3F9F]  }
0x2a: {  	p0 =	seq.s32 s5, $0x0;
	s5 =	sld [smem:$0x3FA0]  }
0x2b: {  	s6 =	sld [smem:$0x3FA1]  }
0x2c: {  	s7 =	sld [smem:$0x3FA2]  }
0x2d: {  	s3 =	simm.s32 $0x108;
	s8 =	sld [smem:$0x3FA3]  }
0x2e: {  	s3 =	simm.s32 @!p0 $0x1082;
	s9 =	sld [smem:$0x3FA4]  }
0x2f: {  	lr =	sadd.s32 s0, s3;
	s0 =	sld [smem:$0x3F9B]  }
0x30: {  	s3 =	sld [smem:$0x3F9E]  }
0x31: {  	[smem:$0x3FA7] =	sst s10  }
0x32: {  	s10 =	sld [smem:$0x3FA5];
	_ =	sdelay $0x3  }
0x33: {  	p0 =	seq.s32 s10, $0x1;
	s10 =	sld [smem:$0x3FA7];
	_ =	sdelay $0x3  }
0x34: {  	[smem:$0x3FA7] =	sst s10  }
0x35: {  	s10 =	sld [smem:$0x3FA6];
	_ =	sdelay $0x3  }
0x36: {  	p1 =	seq.s32 s10, $0x1;
	s10 =	sld [smem:$0x3FA7];
	_ =	sdelay $0x3  }
0x37: {  	[smem:$0x3FA7] =	sst s10  }
0x38: {  	s10 =	sld [smem:$0x3FA8]  }
0x39: {  	_ = 	snop;
	(pc) =	sbr.ind lr, $3  }
0x3a: {  	_ = 	snop  }
0x3b: {  	_ = 	snop  }
0x3c: {  	p2 =	seq.s32 s10, $0x1;
	s10 =	sld [smem:$0x3FA7]  }
0x3d: {  	_ =	shalt  }
0x3e: {  	_ =	shalt  }
0x3f: {  	_ =	shalt  }
0x40: {  	_ =	shalt  }
0x41: {  	_ =	shalt  }
0x42: {  	_ =	shalt  }
0x43: {  	_ =	shalt  }
0x44: {  	_ =	shalt  }
0x45: {  	_ =	shalt  }
0x46: {  	_ =	shalt  }
0x47: {  	_ =	shalt  }
0x48: {  	_ =	shalt  }
0x49: {  	_ =	shalt  }
0x4a: {  	_ =	shalt  }
0x4b: {  	_ =	shalt  }
0x4c: {  	_ =	shalt  }
0x4d: {  	_ =	shalt  }
0x4e: {  	_ =	shalt  }
0x4f: {  	_ =	shalt  }
0x50: {  	_ =	shalt  }
0x51: {  	_ =	shalt  }
0x52: {  	_ =	shalt  }
0x53: {  	_ =	shalt  }
0x54: {  	_ =	shalt  }
0x55: {  	_ =	shalt  }
0x56: {  	_ =	shalt  }
0x57: {  	_ =	shalt  }
0x58: {  	_ =	shalt  }
0x59: {  	_ =	shalt  }
0x5a: {  	_ =	shalt  }
0x5b: {  	_ =	shalt  }
0x5c: {  	_ =	shalt  }
0x5d: {  	_ =	shalt  }
0x5e: {  	_ =	shalt  }
0x5f: {  	_ =	shalt  }
0x60: {  	_ =	shalt  }
0x61: {  	_ =	shalt  }
0x62: {  	_ =	shalt  }
0x63: {  	_ =	shalt  }
0x64: {  	_ =	shalt  }
0x65: {  	_ =	shalt  }
0x66: {  	_ =	shalt  }
0x67: {  	_ =	shalt  }
0x68: {  	_ =	shalt  }
0x69: {  	_ =	shalt  }
0x6a: {  	_ =	shalt  }
0x6b: {  	_ =	shalt  }
0x6c: {  	_ =	shalt  }
0x6d: {  	_ =	shalt  }
0x6e: {  	_ =	shalt  }
0x6f: {  	_ =	shalt  }
0x70: {  	_ =	shalt  }
0x71: {  	_ =	shalt  }
0x72: {  	_ =	shalt  }
0x73: {  	_ =	shalt  }
0x74: {  	_ =	shalt  }
0x75: {  	_ =	shalt  }
0x76: {  	_ =	shalt  }
0x77: {  	_ =	shalt  }
0x78: {  	_ =	shalt  }
0x79: {  	_ =	shalt  }
0x7a: {  	_ =	shalt  }
0x7b: {  	_ =	shalt  }
0x7c: {  	_ =	shalt  }
0x7d: {  	_ =	shalt  }
0x7e: {  	_ =	shalt  }
0x7f: {  	_ =	shalt  }
0x80: {  	_ =	shalt  }
0x81: {  	_ =	shalt  }
0x82: {  	_ =	shalt  }
0x83: {  	_ =	shalt  }
0x84: {  	_ =	shalt  }
0x85: {  	_ =	shalt  }
0x86: {  	_ =	shalt  }
0x87: {  	_ =	shalt  }
.Lfunc_end0:
.L_simem_size_0:
called_computation.1_lowered:
.L_overlay_start_0:
0x88: {  	s2 =	sld [smem:$0x3FD9]  }
0x89: {  	s3 =	sld [smem:$0x3FFE];
	_ =	sdelay $0x1  }
0x8a: {  	s1 =	srdreg.scid  }
0x8b: {  	s0 =	sand.u32 $0x1, s1  }
0x8c: {  	s17 =	sshll.u32 s0, $0xA;
	s2 =	sadd.s32 s3, s2  }
0x8d: {  	s2 =	sadd.s32 s2, s17  }
0x8e: {  	[smem:$0x3FB3] =	sst s2  }
0x8f: {  	_ = 	snop  }
0x90: {  	s2 =	sld [smem:$0x3FD0];
	(tm) =	ssettm $0x1  }
0x91: {  	s18 =	sld [smem:$0x3FFB];
	_ =	sdelay $0x3  }
0x92: {  	_ =	strace s18  }
0x93: {  	s3 =	sld [smem:$0x3FFC];
	_ =	sdelay $0x3  }
0x94: {  	_ =	strace s3  }
0x95: {  	s3 =	sld [smem:$0x3FFD];
	_ =	sdelay $0x3  }
0x96: {  	_ =	strace s3  }
0x97: {  	_ =	strace $0x8FFFFFFF  }
0x98: {  	s19 =	sld [smem:$0x3FDB];
	_ =	sdelay $0x1  }
0x99: {  	s4 =	simm.s32 $_scs_section_size  }
0x9a: {  	s5 =	simm.s32 $_size__tile_overlayer_lowered;
	s6 =	simm.s32 $_tile_overlayer_lowered  }
0x9b: {  	s22 =	simm.s32 $0x1BFF;
	s21 =	sshll.u32 s6, $0x1;
	s3 =	sadd.s32 s4, s19  }
0x9c: {  	s7 =	simm.s32 $0x0;
	s20 =	sshll.u32 s5, $0x1;
	s5 =	sadd.s32 s21, s3  }
0x9d: {  	[timem:s7], [sflag:s22] =	dma.local [hbm:s5], s20  }
0x9e: {  	_ =	swait.ge [sflag:s22], s20  }
0x9f: {  	s4 =	ssub.s32 $0x0, s20;
	[sflag:s22] =	ssyncset.done $0x0  }
0xa0: {  	[sflag:s22] =	ssyncadd.s32 s4;
	_ =	sdelay $0x1  }
0xa1: {  	s23 =	simm.s32 $0x1B8B  }
0xa2: {  	_ =	swait.ge [sflag:s23], $0x1  }
0xa3: {  	[sflag:s23] =	ssyncset.done $0x0  }
0xa4: {  	s25 =	simm.s32 $0x1B8E;
	s24 =	sld [smem:$0x3FFE];
	[sflag:s23] =	ssyncadd.s32 $0xFFFFFFFF  }
0xa5: {  	s26 =	simm.s32 $execute0_lowered;
	[smem:$0x3FD2] =	sst s25  }
0xa6: {  	s5 =	sshll.u32 s26, $0x1;
	_ =	strace $0x80000049;
	[dreg:$0x1] =	wrdreg $0xFFFFFFFF  }
0xa7: {  	s28 =	simm.s32 $_size_execute0_lowered;
	s3 =	sadd.s32 s3, s5;
	[dreg:$0x0] =	wrdreg $0x0  }
0xa8: {  	s5 =	sshll.u32 s28, $0x1;
	[dreg:$0x2] =	wrdreg s3  }
0xa9: {  	[dreg:$0x3] =	wrdreg s5  }
0xaa: {  	[dreg:$0x4] =	wrdreg $0xC0  }
0xab: {  	_ =	task [dreg:s7], $0x5FFFF  }
0xac: {  	[dreg:$0x1] =	wrdreg $0xFFFFFFFF  }
0xad: {  	[dreg:$0x0] =	wrdreg $0x60  }
0xae: {  	[dreg:$0x2] =	wrdreg s2  }
0xaf: {  	[dreg:$0x3] =	wrdreg s24  }
0xb0: {  	[dreg:$0x4] =	wrdreg $0xD0000  }
0xb1: {  	[dreg:$0x5] =	wrdreg $0x9  }
0xb2: {  	_ =	task.clear_ibuf [dreg:s7], $0x6FFFF;
	_ =	strace $0x90000049  }
0xb3: {  	s29 =	simm.s32 $0x9;
	_ =	strace $0x8000004B  }
0xb4: {  	_ =	swait.ge [sflag:s29], $0x1  }
0xb5: {  	[sflag:s29] =	ssyncadd.s32 $0xFFFFFFFF  }
0xb6: {  	_ =	strace $0x9000004B  }
0xb7: {  	_ =	sfence  }
0xb8: {  	s30 =	sld [smem:$0x0];
	_ =	sdelay $0x2  }
0xb9: {  	s31 =	sshll.u32 s1, $0xD;
	s1 =	sshrl.u32 s1, $0x2  }
0xba: {  	s3 =	sand.u32 $0x4000, s31;
	s1 =	sadd.s32 s1, s30  }
0xbb: {  	s0 =	sor.u32 s3, s0;
	s1 =	sshll.u32 s1, $0x11  }
0xbc: {  	s0 =	sor.u32 s1, s0  }
0xbd: {  	s0 =	sadd.s32 $0x8F2B, s0  }
0xbe: {  	[sflag:s0] =	ssyncadd.remote.s32 $0x1  }
0xbf: {  	_ =	sfence.sel $0xFFFF  }
0xc0: {  	[dreg:$0x0] =	wrdreg $0xFFFFFFFF;
	(pc) =	sbr.abs _section_cstart, $3  }
0xc1: {  	[dreg:$0x1] =	wrdreg $0xFFFFFFFF  }
0xc2: {  	_ =	task.clear_ibuf [dreg:s7], $0x2FFFF;
	_ =	strace $0x9FFFFFFF  }
0xc3: {  	(tm) =	ssettm $0x7FFFFFFF  }
tec
execute0_lowered:
.L_overlay_start_1:
0x0: {  	(tag) =	ssettag $0x1  }
0x1: {  	s1 =	rddreg [dreg:$0x0]  }
0x2: {  	s0 =	srdreg.scid;
	s6 =	rddreg [dreg:$0x1]  }
0x3: {  	s3 =	rddreg [dreg:$0x2];
	s4 =	simm.s32 $0x0;
	s14 =	simm.s32 $0x100  }
0x4: {  	s15 =	simm.s32 $0x5000;
	s16 =	simm.s32 $0x1;
	s17 =	simm.s32 $0x9000  }
0x5: {  	s18 =	simm.s32 $0x2;
	s19 =	simm.s32 $0x2700;
	s20 =	simm.s32 $0x4E00  }
0x6: {  	s21 =	simm.s32 $0x4F00;
	s5 =	sand.u32 $0x1, s0;
	s0 =	stileid.u32  }
0x7: {  	s22 =	simm.s32 $0x0;
	[smem:$0x7FF] =	sst s4;
	s8 =	smul.u32 $0xA000, s0  }
0x8: {  	s2 =	sshll.u32 s5, $0x4;
	s9 =	smul.u32 $0xA0000, s5;
	s30 =	ssub.s32 $0x2, s5  }
0x9: {  	s5 =	sadd.s32 $0x17800, s6;
	s31 =	sshll.u32 s0, $0x6;
	s2 =	sor.u32 s0, s2  }
0xa: {  	s11 =	sshrl.u32 s30, $0x1;
	s7 =	smul.u32 $0x500, s2;
	s2 =	rddreg [dreg:$0x3]  }
0xb: {  	_ =	strace $0x8000004A;
	s29 =	sadd.s32 s8, s9;
	s11 =	ssub.s32 s30, s11  }
0xc: {  	s13 =	sadd.s32 s8, s3;
	s10 =	sadd.s32 s7, s6;
	s7 =	sshrl.u32 s29, $0x3  }
0xd: {  	s12 =	sadd.s32 s7, s6;
	s6 =	sor.u32 $0x1C03, s31;
	s7 =	sadd.s32 $0x3800, s10  }
0xe: {  	s8 =	sadd.s32 $0xD800, s10;
	s10 =	smax.u32 s11, $0x1;
	s11 =	sshrl.u32 s13, $0x3  }
0xf: {  	s13 =	simm.s32 $0x2800;
	s9 =	sadd.s32 $0xBE400, s12;
	s12 =	simm.s32 $0x3  }
.LBB2_1:
0x10: {  	[spmem:s11], [sflag:s6] =	dma.local [hbm:s5], $0x1400  }
0x11: {  	_ =	swait.ge [sflag:s12], $0x1400  }
0x12: {  	[sflag:s12] =	ssyncset.done $0x0  }
0x13: {  	[sflag:s12] =	ssyncadd.s32 $0xFFFFEC00  }
0x14: {  	[tilespmem:s4], [sflag:$0x3] =	stream.linear.gather [hbm4b:s7+s4], $0x2800, $0x38;
	[tilespmem:$0x17000] =	vst v63  }
0x15: {  	_ =	swait.ge [sflag:s12], $0x2800  }
0x16: {  	[sflag:s12] =	ssyncset.done $0x0  }
0x17: {  	[sflag:s12] =	ssyncadd.s32 $0xFFFFD800  }
0x18: {  	[tilespmem:s13], [sflag:$0x3] =	stream.linear.gather [hbm4b:s8+s4], $0x2800, $0x38;
	[tilespmem:$0x17000] =	vst v63  }
0x19: {  	_ =	swait.ge [sflag:s12], $0x2800  }
0x1a: {  	[sflag:s12] =	ssyncset.done $0x0  }
0x1b: {  	[sflag:s12] =	ssyncadd.s32 $0xFFFFD800  }
0x1c: {  	[bflag:$0x0] =	sbarrier.arrive $0xFFFF  }
0x1d: {  	[tilespmem:s15], [sflag:$0x1] =	stream.indirect.gather [hbm4b:s1+s14], $0x40, s4, s14, $0xb8;
	[tilespmem:$0x17000] =	vst v63  }
0x1e: {  	_ =	swait.ge [sflag:s16], $0x4000  }
0x1f: {  	[sflag:s16] =	ssyncset.done $0x0  }
0x20: {  	s23 =	simm.s32 $0x100;
	[sflag:s16] =	ssyncadd.s32 $0xFFFFC000  }
0x21: {  	[tilespmem:s17], [sflag:$0x2] =	stream.indirect.gather [hbm4b:s1+s14], $0x40, s23, s14, $0xb8;
	[tilespmem:$0x17000] =	vst v63  }
0x22: {  	s29 =	simm.s32 $0x2800  }
0x23: {  	[spmem:s3] =	stream.indirect.scatter.add.f32 [tilespmem:s15], [sflag:$0x3], $0x40, s29, s14, $0xb8;
	[tilespmem:$0x17000] =	vst v63  }
0x24: {  	_ =	swait.ge [sflag:s12], $0x4000  }
0x25: {  	[sflag:s12] =	ssyncset.done $0x0  }
0x26: {  	[sflag:s12] =	ssyncadd.s32 $0xFFFFC000  }
0x27: {  	_ =	swait.ge [sflag:s18], $0x4000  }
0x28: {  	[sflag:s18] =	ssyncset.done $0x0  }
0x29: {  	s30 =	simm.s32 $0x200;
	[sflag:s18] =	ssyncadd.s32 $0xFFFFC000  }
0x2a: {  	[tilespmem:s15], [sflag:$0x1] =	stream.indirect.gather [hbm4b:s1+s14], $0x40, s30, s14, $0xb8;
	[tilespmem:$0x17000] =	vst v63  }
0x2b: {  	s31 =	simm.s32 $0x2900  }
0x2c: {  	[spmem:s3] =	stream.indirect.scatter.add.f32 [tilespmem:s17], [sflag:$0x3], $0x40, s31, s14, $0xb8;
	[tilespmem:$0x17000] =	vst v63  }
0x2d: {  	_ =	swait.ge [sflag:s12], $0x4000  }
0x2e: {  	s23 =	simm.s32 $0x800;
	[sflag:s12] =	ssyncset.done $0x0  }
.LBB2_2:
0x2f: {  	p0 =	sne.s32 s23, $0x9000  }
0x30: {  	[sflag:s12] =	ssyncadd.s32 $0xFFFFC000;
	s24 =	smov.u32 s23;
	s23 =	sadd.s32 $0x800, s23  }
0x31: {  	_ = 	snop  }
0x32: {  	_ =	swait.ge [sflag:s16], $0x4000  }
0x33: {  	s24 =	sshra.s32 s24, $0x2;
	[sflag:s16] =	ssyncset.done $0x0  }
0x34: {  	s25 =	sadd.s32 $0x100, s24;
	[sflag:s16] =	ssyncadd.s32 $0xFFFFC000  }
0x35: {  	[tilespmem:s17], [sflag:$0x2] =	stream.indirect.gather [hbm4b:s1+s14], $0x40, s25, s14, $0xb8;
	[tilespmem:$0x17000] =	vst v63  }
0x36: {  	s25 =	sadd.s32 $0x2800, s24  }
0x37: {  	[spmem:s3] =	stream.indirect.scatter.add.f32 [tilespmem:s15], [sflag:$0x3], $0x40, s25, s14, $0xb8;
	[tilespmem:$0x17000] =	vst v63  }
0x38: {  	_ =	swait.ge [sflag:s12], $0x4000  }
0x39: {  	[sflag:s12] =	ssyncset.done $0x0  }
0x3a: {  	[sflag:s12] =	ssyncadd.s32 $0xFFFFC000  }
0x3b: {  	_ =	swait.ge [sflag:s18], $0x4000  }
0x3c: {  	[sflag:s18] =	ssyncset.done $0x0  }
0x3d: {  	s25 =	sadd.s32 $0x200, s24;
	[sflag:s18] =	ssyncadd.s32 $0xFFFFC000  }
0x3e: {  	[tilespmem:s15], [sflag:$0x1] =	stream.indirect.gather [hbm4b:s1+s14], $0x40, s25, s14, $0xb8;
	[tilespmem:$0x17000] =	vst v63  }
.Ltmp0:
0x3f: {  	_ = 	snop;
	(pc) =	sbr.rel @p0 .LBB2_2-.Ltmp0, $4  }
0x40: {  	s24 =	sadd.s32 $0x2900, s24  }
0x41: {  	[spmem:s3] =	stream.indirect.scatter.add.f32 [tilespmem:s17], [sflag:$0x3], $0x40, s24, s14, $0xb8;
	[tilespmem:$0x17000] =	vst v63  }
0x42: {  	_ =	swait.ge [sflag:s12], $0x4000  }
0x43: {  	[sflag:s12] =	ssyncset.done $0x0  }
0x44: {  	[sflag:s12] =	ssyncadd.s32 $0xFFFFC000  }
0x45: {  	_ =	swait.ge [sflag:s16], $0x4000  }
0x46: {  	[sflag:s16] =	ssyncset.done $0x0  }
0x47: {  	[sflag:s16] =	ssyncadd.s32 $0xFFFFC000  }
0x48: {  	[tilespmem:s17], [sflag:$0x2] =	stream.indirect.gather [hbm4b:s1+s14], $0x40, s19, s14, $0xb8;
	[tilespmem:$0x17000] =	vst v63  }
0x49: {  	_ = 	snop  }
0x4a: {  	[spmem:s3] =	stream.indirect.scatter.add.f32 [tilespmem:s15], [sflag:$0x3], $0x40, s20, s14, $0xb8;
	[tilespmem:$0x17000] =	vst v63  }
0x4b: {  	_ =	swait.ge [sflag:s12], $0x4000  }
0x4c: {  	[sflag:s12] =	ssyncset.done $0x0  }
0x4d: {  	[sflag:s12] =	ssyncadd.s32 $0xFFFFC000  }
0x4e: {  	_ =	swait.ge [sflag:s18], $0x4000  }
0x4f: {  	[sflag:s18] =	ssyncset.done $0x0  }
0x50: {  	[sflag:s18] =	ssyncadd.s32 $0xFFFFC000  }
0x51: {  	[spmem:s3] =	stream.indirect.scatter.add.f32 [tilespmem:s17], [sflag:$0x3], $0x40, s21, s14, $0xb8;
	[tilespmem:$0x17000] =	vst v63  }
0x52: {  	_ =	swait.ge [sflag:s12], $0x4000  }
0x53: {  	s22 =	sadd.s32 $0x1, s22;
	[sflag:s12] =	ssyncset.done $0x0  }
0x54: {  	p0 =	sne.s32 s22, s10;
	[sflag:s12] =	ssyncadd.s32 $0xFFFFC000  }
.Ltmp1:
0x55: {  	[bflag:$0x0] =	sbarrier.arrive $0xFFFF;
	(pc) =	sbr.rel @p0 .LBB2_1-.Ltmp1, $4  }
0x56: {  	[hbm:s9], [sflag:s6] =	dma.local [spmem:s11], $0x1400  }
0x57: {  	_ =	swait.ge [sflag:s12], $0x1400  }
0x58: {  	[sflag:s12] =	ssyncset.done $0x0  }
0x59: {  	[sflag:s12] =	ssyncadd.s32 $0xFFFFEC00  }
0x5a: {  	_ =	sfence.sel $0x180000  }
0x5b: {  	[bflag:$0x0] =	sbarrier.arrive $0xFFFF  }
0x5c: {  	p0 =	sne.s32 s0, $0x0;
	_ =	strace $0x9000004A  }
0x5d: {  	s0 =	sadd.s32 @!p0 $0x100000, s2;
	[bflag:$0x2] =	sbarrier.arrive $0xFFFF  }
0x5e: {  	[sflag:s0] =	ssyncadd.tile.s32 @!p0 $0x1;
	_ =	shalt  }
.Lfunc_end2:
_tile_overlayer_lowered:
.L_overlay_start_2:
0x5f: {  	(tag) =	ssettag $0x2  }
0x60: {  	s0 =	rddreg [dreg:$0x0];
	s2 =	stileid.u32  }
0x61: {  	s1 =	rddreg [dreg:$0x1];
	p0 =	sne.s32 s2, $0x0  }
0x62: {  	s3 =	rddreg [dreg:$0x2];
	[bflag:$0x3] =	sbarrier.arrive $0xFFFF;
	s2 =	simm.s32 @!p0 $0x1C03  }
0x63: {  	[timem:s3], [sflag:s2] =	dma.local @!p0 [hbm:s0], s1  }
0x64: {  	s0 =	simm.s32 @!p0 $0x3  }
0x65: {  	_ =	swait.ge @!p0 [sflag:s0], s1  }
0x66: {  	s1 =	ssub.s32 @!p0 $0x0, s1;
	[sflag:s0] =	ssyncset.done @!p0 $0x0  }
0x67: {  	[sflag:s0] =	ssyncadd.s32 @!p0 s1  }
0x68: {  	[bflag:$0x3] =	sbarrier.arrive $0xFFFF  }
0x69: {  	_ =	shalt  }

// kernel: kernel.16.cloned.1.call-start
scs
__scs_entry_jumppad:
0x0: {  	(pc) =	sbr.rel $0x88, $3  }
0x1: {  	(tag) =	ssettag $0x0;
	lr =	simm.s32 $0x1  }
0x2: {  	[smem:$0x3F8C] =	sst lr;
	_ =	strace $0xD0000000  }
0x3: {  	_ = 	snop  }
0x4: {  	_ = 	snop  }
0x5: {  	_ = 	snop  }
0x6: {  	_ = 	snop  }
0x7: {  	_ = 	snop  }
__scs_overlays_trampoline_lowered:
0x8: {  	[smem:$0x3F9B] =	sst s0  }
0x9: {  	[smem:$0x3F9C] =	sst s1  }
0xa: {  	[smem:$0x3F9D] =	sst s2  }
0xb: {  	[smem:$0x3F9E] =	sst s3  }
0xc: {  	[smem:$0x3F9F] =	sst s4  }
0xd: {  	[smem:$0x3FA0] =	sst s5  }
0xe: {  	[smem:$0x3FA1] =	sst s6  }
0xf: {  	[smem:$0x3FA2] =	sst s7  }
0x10: {  	[smem:$0x3FA3] =	sst s8  }
0x11: {  	[smem:$0x3FA4] =	sst s9;
	s0 =	simm.s32 @!p0 $0x0  }
0x12: {  	s1 =	sld [smem:$0x3F8A];
	s0 =	simm.s32 @p0 $0x1  }
0x13: {  	[smem:$0x3FA5] =	sst s0;
	s0 =	simm.s32 @!p1 $0x0  }
0x14: {  	s2 =	sld [smem:$0x3F89];
	s0 =	simm.s32 @p1 $0x1  }
0x15: {  	[smem:$0x3FA6] =	sst s0;
	s0 =	simm.s32 @!p2 $0x0  }
0x16: {  	s3 =	sld [smem:$0x3FDB];
	s0 =	simm.s32 @p2 $0x1  }
0x17: {  	s4 =	simm.s32 $0x1BF5;
	[smem:$0x3FA8] =	sst s0  }
0x18: {  	s0 =	sld [smem:$0x3F8B];
	_ =	swait.ge [sflag:s4], $0x0  }
0x19: {  	s7 =	sld [smem:$0x3F8C]  }
0x1a: {  	s8 =	sadd.s32 $0xFFFFE003, lr  }
0x1b: {  	s9 =	sadd.s32 $0xFFFFFEF7, lr;
	s5 =	simm.s32 $0xFFFFFFFF;
	p2 =	slt.u32 s8, $0xFFFFF086  }
0x1c: {  	p1 =	slt.u32 s9, $0xF7A;
	s5 =	simm.s32 @!p2 $0x0  }
0x1d: {  	s5 =	simm.s32 @p1 $0x1;
	p0 =	seq.s32 s7, s2  }
0x1e: {  	s7 =	smul.u32 @!p0 $0xF7A, s2;
	p2 =	seq.s32 @!p0 s5, $0x0  }
0x1f: {  	s9 =	smul.u32 $0xF7A, s1;
	s8 =	simm.s32 @!p0 $0x1BF5;
	p2 =	por !p2, p0  }
0x20: {  	[sflag:s8] =	ssyncset.s32 @!p0 $0xFFFFF086;
	s6 =	sadd.s32 @!p0 s3, s7;
	s7 =	simm.s32 @!p0 $0x108  }
0x21: {  	s3 =	sadd.s32 s3, s9;
	s6 =	sadd.s32 @!p0 $0x88, s6;
	s7 =	simm.s32 @p2 $0x1082  }
0x22: {  	[simem:s7], [sflag:s8] =	dma.local @!p0 [hbm:s6], $0xF7A  }
0x23: {  	s9 =	sor.u32 $0xD0000000, s2;
	s6 =	simm.s32 $0x108;
	_ =	swait.ge @!p0 [sflag:s8], $0x0  }
0x24: {  	s3 =	sadd.s32 $0x88, s3;
	s6 =	simm.s32 @!p1 $0x1082;
	[sflag:s4] =	ssyncset.s32 $0xFFFFF086  }
0x25: {  	[simem:s6], [sflag:s4] =	dma.local [hbm:s3], $0xF7A  }
0x26: {  	[smem:$0x3F8C] =	sst s1;
	(tag) =	ssettag s2;
	_ =	strace s9  }
0x27: {  	s1 =	sld [smem:$0x3F9C]  }
0x28: {  	s2 =	sld [smem:$0x3F9D]  }
0x29: {  	s4 =	sld [smem:$0x3F9F]  }
0x2a: {  	p0 =	seq.s32 s5, $0x0;
	s5 =	sld [smem:$0x3FA0]  }
0x2b: {  	s6 =	sld [smem:$0x3FA1]  }
0x2c: {  	s7 =	sld [smem:$0x3FA2]  }
0x2d: {  	s3 =	simm.s32 $0x108;
	s8 =	sld [smem:$0x3FA3]  }
0x2e: {  	s3 =	simm.s32 @!p0 $0x1082;
	s9 =	sld [smem:$0x3FA4]  }
0x2f: {  	lr =	sadd.s32 s0, s3;
	s0 =	sld [smem:$0x3F9B]  }
0x30: {  	s3 =	sld [smem:$0x3F9E]  }
0x31: {  	[smem:$0x3FA7] =	sst s10  }
0x32: {  	s10 =	sld [smem:$0x3FA5];
	_ =	sdelay $0x3  }
0x33: {  	p0 =	seq.s32 s10, $0x1;
	s10 =	sld [smem:$0x3FA7];
	_ =	sdelay $0x3  }
0x34: {  	[smem:$0x3FA7] =	sst s10  }
0x35: {  	s10 =	sld [smem:$0x3FA6];
	_ =	sdelay $0x3  }
0x36: {  	p1 =	seq.s32 s10, $0x1;
	s10 =	sld [smem:$0x3FA7];
	_ =	sdelay $0x3  }
0x37: {  	[smem:$0x3FA7] =	sst s10  }
0x38: {  	s10 =	sld [smem:$0x3FA8]  }
0x39: {  	_ = 	snop;
	(pc) =	sbr.ind lr, $3  }
0x3a: {  	_ = 	snop  }
0x3b: {  	_ = 	snop  }
0x3c: {  	p2 =	seq.s32 s10, $0x1;
	s10 =	sld [smem:$0x3FA7]  }
0x3d: {  	_ =	shalt  }
0x3e: {  	_ =	shalt  }
0x3f: {  	_ =	shalt  }
0x40: {  	_ =	shalt  }
0x41: {  	_ =	shalt  }
0x42: {  	_ =	shalt  }
0x43: {  	_ =	shalt  }
0x44: {  	_ =	shalt  }
0x45: {  	_ =	shalt  }
0x46: {  	_ =	shalt  }
0x47: {  	_ =	shalt  }
0x48: {  	_ =	shalt  }
0x49: {  	_ =	shalt  }
0x4a: {  	_ =	shalt  }
0x4b: {  	_ =	shalt  }
0x4c: {  	_ =	shalt  }
0x4d: {  	_ =	shalt  }
0x4e: {  	_ =	shalt  }
0x4f: {  	_ =	shalt  }
0x50: {  	_ =	shalt  }
0x51: {  	_ =	shalt  }
0x52: {  	_ =	shalt  }
0x53: {  	_ =	shalt  }
0x54: {  	_ =	shalt  }
0x55: {  	_ =	shalt  }
0x56: {  	_ =	shalt  }
0x57: {  	_ =	shalt  }
0x58: {  	_ =	shalt  }
0x59: {  	_ =	shalt  }
0x5a: {  	_ =	shalt  }
0x5b: {  	_ =	shalt  }
0x5c: {  	_ =	shalt  }
0x5d: {  	_ =	shalt  }
0x5e: {  	_ =	shalt  }
0x5f: {  	_ =	shalt  }
0x60: {  	_ =	shalt  }
0x61: {  	_ =	shalt  }
0x62: {  	_ =	shalt  }
0x63: {  	_ =	shalt  }
0x64: {  	_ =	shalt  }
0x65: {  	_ =	shalt  }
0x66: {  	_ =	shalt  }
0x67: {  	_ =	shalt  }
0x68: {  	_ =	shalt  }
0x69: {  	_ =	shalt  }
0x6a: {  	_ =	shalt  }
0x6b: {  	_ =	shalt  }
0x6c: {  	_ =	shalt  }
0x6d: {  	_ =	shalt  }
0x6e: {  	_ =	shalt  }
0x6f: {  	_ =	shalt  }
0x70: {  	_ =	shalt  }
0x71: {  	_ =	shalt  }
0x72: {  	_ =	shalt  }
0x73: {  	_ =	shalt  }
0x74: {  	_ =	shalt  }
0x75: {  	_ =	shalt  }
0x76: {  	_ =	shalt  }
0x77: {  	_ =	shalt  }
0x78: {  	_ =	shalt  }
0x79: {  	_ =	shalt  }
0x7a: {  	_ =	shalt  }
0x7b: {  	_ =	shalt  }
0x7c: {  	_ =	shalt  }
0x7d: {  	_ =	shalt  }
0x7e: {  	_ =	shalt  }
0x7f: {  	_ =	shalt  }
0x80: {  	_ =	shalt  }
0x81: {  	_ =	shalt  }
0x82: {  	_ =	shalt  }
0x83: {  	_ =	shalt  }
0x84: {  	_ =	shalt  }
0x85: {  	_ =	shalt  }
0x86: {  	_ =	shalt  }
0x87: {  	_ =	shalt  }
.Lfunc_end0:
.L_simem_size_0:
called_computation.2_lowered:
.L_overlay_start_0:
0x88: {  	s2 =	sld [smem:$0x3FD9]  }
0x89: {  	s3 =	sld [smem:$0x3FFE];
	_ =	sdelay $0x1  }
0x8a: {  	s1 =	srdreg.scid  }
0x8b: {  	s0 =	sand.u32 $0x1, s1  }
0x8c: {  	s16 =	sshll.u32 s0, $0xA;
	s2 =	sadd.s32 s3, s2  }
0x8d: {  	s2 =	sadd.s32 s2, s16  }
0x8e: {  	[smem:$0x3FB3] =	sst s2  }
0x8f: {  	_ = 	snop  }
0x90: {  	(tm) =	ssettm $0x1  }
0x91: {  	s17 =	sld [smem:$0x3FFB];
	_ =	sdelay $0x3  }
0x92: {  	_ =	strace s17  }
0x93: {  	s2 =	sld [smem:$0x3FFC];
	_ =	sdelay $0x3  }
0x94: {  	_ =	strace s2  }
0x95: {  	s2 =	sld [smem:$0x3FFD];
	_ =	sdelay $0x3  }
0x96: {  	_ =	strace s2  }
0x97: {  	_ =	strace $0x8FFFFFFF  }
0x98: {  	s18 =	sld [smem:$0x3FDB];
	_ =	sdelay $0x1  }
0x99: {  	s19 =	simm.s32 $_scs_section_size  }
0x9a: {  	s4 =	simm.s32 $_size__tile_overlayer_lowered;
	s5 =	simm.s32 $_tile_overlayer_lowered  }
0x9b: {  	s22 =	simm.s32 $0x1BFF;
	s21 =	sshll.u32 s5, $0x1;
	s2 =	sadd.s32 s19, s18  }
0x9c: {  	s6 =	simm.s32 $0x0;
	s20 =	sshll.u32 s4, $0x1;
	s4 =	sadd.s32 s21, s2  }
0x9d: {  	[timem:s6], [sflag:s22] =	dma.local [hbm:s4], s20  }
0x9e: {  	_ =	swait.ge [sflag:s22], s20  }
0x9f: {  	s3 =	ssub.s32 $0x0, s20;
	[sflag:s22] =	ssyncset.done $0x0  }
0xa0: {  	[sflag:s22] =	ssyncadd.s32 s3;
	_ =	sdelay $0x1  }
0xa1: {  	s23 =	simm.s32 $0x1B8B  }
0xa2: {  	_ =	swait.ge [sflag:s23], $0x1  }
0xa3: {  	[sflag:s23] =	ssyncset.done $0x0  }
0xa4: {  	s25 =	simm.s32 $0x1B8E;
	s24 =	sld [smem:$0x3FFE];
	[sflag:s23] =	ssyncadd.s32 $0xFFFFFFFF  }
0xa5: {  	s26 =	simm.s32 $execute0_lowered;
	[smem:$0x3FD2] =	sst s25  }
0xa6: {  	s4 =	sshll.u32 s26, $0x1;
	_ =	strace $0x8000004C;
	[dreg:$0x1] =	wrdreg $0xFFFFFFFF  }
0xa7: {  	s28 =	simm.s32 $_size_execute0_lowered;
	s2 =	sadd.s32 s2, s4;
	[dreg:$0x0] =	wrdreg $0x0  }
0xa8: {  	s4 =	sshll.u32 s28, $0x1;
	[dreg:$0x2] =	wrdreg s2  }
0xa9: {  	[dreg:$0x3] =	wrdreg s4  }
0xaa: {  	[dreg:$0x4] =	wrdreg $0xC0  }
0xab: {  	_ =	task [dreg:s6], $0x5FFFF  }
0xac: {  	[dreg:$0x1] =	wrdreg $0xFFFFFFFF  }
0xad: {  	[dreg:$0x0] =	wrdreg $0x60  }
0xae: {  	[dreg:$0x2] =	wrdreg s24  }
0xaf: {  	[dreg:$0x3] =	wrdreg $0xD0000  }
0xb0: {  	[dreg:$0x4] =	wrdreg $0x9  }
0xb1: {  	_ =	task.clear_ibuf [dreg:s6], $0x5FFFF;
	_ =	strace $0x9000004C  }
0xb2: {  	s29 =	simm.s32 $0x9;
	_ =	strace $0x8000004E  }
0xb3: {  	_ =	swait.ge [sflag:s29], $0x1  }
0xb4: {  	[sflag:s29] =	ssyncadd.s32 $0xFFFFFFFF  }
0xb5: {  	_ =	strace $0x9000004E  }
0xb6: {  	_ =	sfence  }
0xb7: {  	s30 =	sld [smem:$0x0];
	_ =	sdelay $0x2  }
0xb8: {  	s31 =	sshll.u32 s1, $0xD;
	s1 =	sshrl.u32 s1, $0x2  }
0xb9: {  	s3 =	sand.u32 $0x4000, s31;
	s1 =	sadd.s32 s1, s30  }
0xba: {  	s0 =	sor.u32 s3, s0;
	s1 =	sshll.u32 s1, $0x11  }
0xbb: {  	s0 =	sor.u32 s1, s0  }
0xbc: {  	s0 =	sadd.s32 $0x8F2B, s0  }
0xbd: {  	[sflag:s0] =	ssyncadd.remote.s32 $0x1  }
0xbe: {  	_ =	sfence.sel $0xFFFF  }
0xbf: {  	[dreg:$0x0] =	wrdreg $0xFFFFFFFF;
	(pc) =	sbr.abs _section_cstart, $3  }
0xc0: {  	[dreg:$0x1] =	wrdreg $0xFFFFFFFF  }
0xc1: {  	_ =	task.clear_ibuf [dreg:s6], $0x2FFFF;
	_ =	strace $0x9FFFFFFF  }
0xc2: {  	(tm) =	ssettm $0x7FFFFFFF  }
0xc3: {  	_ =	shalt  }
tec
execute0_lowered:
.L_overlay_start_1:
0x0: {  	(tag) =	ssettag $0x1  }
0x1: {  	s6 =	rddreg [dreg:$0x0]  }
0x2: {  	s0 =	srdreg.scid;
	s2 =	rddreg [dreg:$0x1]  }
0x3: {  	s3 =	simm.s32 $0x0;
	s14 =	simm.s32 $0x100;
	s15 =	simm.s32 $0x5000  }
0x4: {  	s16 =	simm.s32 $0x1;
	s17 =	simm.s32 $0x9000;
	s18 =	simm.s32 $0x2  }
0x5: {  	s19 =	simm.s32 $0x2700;
	s20 =	simm.s32 $0x4E00;
	s21 =	simm.s32 $0x4F00  }
0x6: {  	s22 =	simm.s32 $0x0;
	s5 =	sand.u32 $0x1, s0;
	s0 =	stileid.u32  }
0x7: {  	[smem:$0x7FF] =	sst s3;
	s4 =	sadd.s32 $0xBE400, s6;
	s8 =	smul.u32 $0xA000, s0  }
0x8: {  	s1 =	sshll.u32 s5, $0x4;
	s9 =	smul.u32 $0xA0000, s5;
	s30 =	ssub.s32 $0x2, s5  }
0x9: {  	s5 =	sadd.s32 $0x17800, s6;
	s31 =	sshll.u32 s0, $0x6;
	s1 =	sor.u32 s0, s1  }
0xa: {  	s11 =	sshrl.u32 s30, $0x1;
	s7 =	smul.u32 $0x500, s1;
	s1 =	rddreg [dreg:$0x2]  }
0xb: {  	_ =	strace $0x8000004D;
	s29 =	sadd.s32 s8, s9;
	s11 =	ssub.s32 s30, s11  }
0xc: {  	s13 =	sadd.s32 s8, s2;
	s10 =	sadd.s32 s7, s6;
	s7 =	sshrl.u32 s29, $0x3  }
0xd: {  	s12 =	sadd.s32 s7, s6;
	s6 =	sor.u32 $0x1C03, s31;
	s7 =	sadd.s32 $0x3800, s10  }
0xe: {  	s8 =	sadd.s32 $0xD800, s10;
	s10 =	smax.u32 s11, $0x1;
	s11 =	sshrl.u32 s13, $0x3  }
0xf: {  	s13 =	simm.s32 $0x2800;
	s9 =	sadd.s32 $0xD2400, s12;
	s12 =	simm.s32 $0x3  }
.LBB2_1:
0x10: {  	[spmem:s11], [sflag:s6] =	dma.local [hbm:s5], $0x1400  }
0x11: {  	_ =	swait.ge [sflag:s12], $0x1400  }
0x12: {  	[sflag:s12] =	ssyncset.done $0x0  }
0x13: {  	[sflag:s12] =	ssyncadd.s32 $0xFFFFEC00  }
0x14: {  	[tilespmem:s3], [sflag:$0x3] =	stream.linear.gather [hbm4b:s7+s3], $0x2800, $0x38;
	[tilespmem:$0x17000] =	vst v63  }
0x15: {  	_ =	swait.ge [sflag:s12], $0x2800  }
0x16: {  	[sflag:s12] =	ssyncset.done $0x0  }
0x17: {  	[sflag:s12] =	ssyncadd.s32 $0xFFFFD800  }
0x18: {  	[tilespmem:s13], [sflag:$0x3] =	stream.linear.gather [hbm4b:s8+s3], $0x2800, $0x38;
	[tilespmem:$0x17000] =	vst v63  }
0x19: {  	_ =	swait.ge [sflag:s12], $0x2800  }
0x1a: {  	[sflag:s12] =	ssyncset.done $0x0  }
0x1b: {  	[sflag:s12] =	ssyncadd.s32 $0xFFFFD800  }
0x1c: {  	[bflag:$0x0] =	sbarrier.arrive $0xFFFF  }
0x1d: {  	[tilespmem:s15], [sflag:$0x1] =	stream.indirect.gather [hbm4b:s4+s14], $0x40, s3, s14, $0xb8;
	[tilespmem:$0x17000] =	vst v63  }
0x1e: {  	_ =	swait.ge [sflag:s16], $0x4000  }
0x1f: {  	[sflag:s16] =	ssyncset.done $0x0  }
0x20: {  	s23 =	simm.s32 $0x100;
	[sflag:s16] =	ssyncadd.s32 $0xFFFFC000  }
0x21: {  	[tilespmem:s17], [sflag:$0x2] =	stream.indirect.gather [hbm4b:s4+s14], $0x40, s23, s14, $0xb8;
	[tilespmem:$0x17000] =	vst v63  }
0x22: {  	s29 =	simm.s32 $0x2800  }
0x23: {  	[spmem:s2] =	stream.indirect.scatter.add.f32 [tilespmem:s15], [sflag:$0x3], $0x40, s29, s14, $0xb8;
	[tilespmem:$0x17000] =	vst v63  }
0x24: {  	_ =	swait.ge [sflag:s12], $0x4000  }
0x25: {  	[sflag:s12] =	ssyncset.done $0x0  }
0x26: {  	[sflag:s12] =	ssyncadd.s32 $0xFFFFC000  }
0x27: {  	_ =	swait.ge [sflag:s18], $0x4000  }
0x28: {  	[sflag:s18] =	ssyncset.done $0x0  }
0x29: {  	s30 =	simm.s32 $0x200;
	[sflag:s18] =	ssyncadd.s32 $0xFFFFC000  }
0x2a: {  	[tilespmem:s15], [sflag:$0x1] =	stream.indirect.gather [hbm4b:s4+s14], $0x40, s30, s14, $0xb8;
	[tilespmem:$0x17000] =	vst v63  }
0x2b: {  	s31 =	simm.s32 $0x2900  }
0x2c: {  	[spmem:s2] =	stream.indirect.scatter.add.f32 [tilespmem:s17], [sflag:$0x3], $0x40, s31, s14, $0xb8;
	[tilespmem:$0x17000] =	vst v63  }
0x2d: {  	_ =	swait.ge [sflag:s12], $0x4000  }
0x2e: {  	s23 =	simm.s32 $0x800;
	[sflag:s12] =	ssyncset.done $0x0  }
.LBB2_2:
0x2f: {  	p0 =	sne.s32 s23, $0x9000  }
0x30: {  	[sflag:s12] =	ssyncadd.s32 $0xFFFFC000;
	s24 =	smov.u32 s23;
	s23 =	sadd.s32 $0x800, s23  }
0x31: {  	_ = 	snop  }
0x32: {  	_ =	swait.ge [sflag:s16], $0x4000  }
0x33: {  	s24 =	sshra.s32 s24, $0x2;
	[sflag:s16] =	ssyncset.done $0x0  }
0x34: {  	s25 =	sadd.s32 $0x100, s24;
	[sflag:s16] =	ssyncadd.s32 $0xFFFFC000  }
0x35: {  	[tilespmem:s17], [sflag:$0x2] =	stream.indirect.gather [hbm4b:s4+s14], $0x40, s25, s14, $0xb8;
	[tilespmem:$0x17000] =	vst v63  }
0x36: {  	s25 =	sadd.s32 $0x2800, s24  }
0x37: {  	[spmem:s2] =	stream.indirect.scatter.add.f32 [tilespmem:s15], [sflag:$0x3], $0x40, s25, s14, $0xb8;
	[tilespmem:$0x17000] =	vst v63  }
0x38: {  	_ =	swait.ge [sflag:s12], $0x4000  }
0x39: {  	[sflag:s12] =	ssyncset.done $0x0  }
0x3a: {  	[sflag:s12] =	ssyncadd.s32 $0xFFFFC000  }
0x3b: {  	_ =	swait.ge [sflag:s18], $0x4000  }
0x3c: {  	[sflag:s18] =	ssyncset.done $0x0  }
0x3d: {  	s25 =	sadd.s32 $0x200, s24;
	[sflag:s18] =	ssyncadd.s32 $0xFFFFC000  }
0x3e: {  	[tilespmem:s15], [sflag:$0x1] =	stream.indirect.gather [hbm4b:s4+s14], $0x40, s25, s14, $0xb8;
	[tilespmem:$0x17000] =	vst v63  }
.Ltmp0:
0x3f: {  	_ = 	snop;
	(pc) =	sbr.rel @p0 .LBB2_2-.Ltmp0, $4  }
0x40: {  	s24 =	sadd.s32 $0x2900, s24  }
0x41: {  	[spmem:s2] =	stream.indirect.scatter.add.f32 [tilespmem:s17], [sflag:$0x3], $0x40, s24, s14, $0xb8;
	[tilespmem:$0x17000] =	vst v63  }
0x42: {  	_ =	swait.ge [sflag:s12], $0x4000  }
0x43: {  	[sflag:s12] =	ssyncset.done $0x0  }
0x44: {  	[sflag:s12] =	ssyncadd.s32 $0xFFFFC000  }
0x45: {  	_ =	swait.ge [sflag:s16], $0x4000  }
0x46: {  	[sflag:s16] =	ssyncset.done $0x0  }
0x47: {  	[sflag:s16] =	ssyncadd.s32 $0xFFFFC000  }
0x48: {  	[tilespmem:s17], [sflag:$0x2] =	stream.indirect.gather [hbm4b:s4+s14], $0x40, s19, s14, $0xb8;
	[tilespmem:$0x17000] =	vst v63  }
0x49: {  	_ = 	snop  }
0x4a: {  	[spmem:s2] =	stream.indirect.scatter.add.f32 [tilespmem:s15], [sflag:$0x3], $0x40, s20, s14, $0xb8;
	[tilespmem:$0x17000] =	vst v63  }
0x4b: {  	_ =	swait.ge [sflag:s12], $0x4000  }
0x4c: {  	[sflag:s12] =	ssyncset.done $0x0  }
0x4d: {  	[sflag:s12] =	ssyncadd.s32 $0xFFFFC000  }
0x4e: {  	_ =	swait.ge [sflag:s18], $0x4000  }
0x4f: {  	[sflag:s18] =	ssyncset.done $0x0  }
0x50: {  	[sflag:s18] =	ssyncadd.s32 $0xFFFFC000  }
0x51: {  	[spmem:s2] =	stream.indirect.scatter.add.f32 [tilespmem:s17], [sflag:$0x3], $0x40, s21, s14, $0xb8;
	[tilespmem:$0x17000] =	vst v63  }
0x52: {  	_ =	swait.ge [sflag:s12], $0x4000  }
0x53: {  	s22 =	sadd.s32 $0x1, s22;
	[sflag:s12] =	ssyncset.done $0x0  }
0x54: {  	p0 =	sne.s32 s22, s10;
	[sflag:s12] =	ssyncadd.s32 $0xFFFFC000  }
.Ltmp1:
0x55: {  	[bflag:$0x0] =	sbarrier.arrive $0xFFFF;
	(pc) =	sbr.rel @p0 .LBB2_1-.Ltmp1, $4  }
0x56: {  	[hbm:s9], [sflag:s6] =	dma.local [spmem:s11], $0x1400  }
0x57: {  	_ =	swait.ge [sflag:s12], $0x1400  }
0x58: {  	[sflag:s12] =	ssyncset.done $0x0  }
0x59: {  	[sflag:s12] =	ssyncadd.s32 $0xFFFFEC00  }
0x5a: {  	_ =	sfence.sel $0x180000  }
0x5b: {  	[bflag:$0x0] =	sbarrier.arrive $0xFFFF  }
0x5c: {  	p0 =	sne.s32 s0, $0x0;
	_ =	strace $0x9000004D  }
0x5d: {  	s0 =	sadd.s32 @!p0 $0x100000, s1;
	[bflag:$0x2] =	sbarrier.arrive $0xFFFF  }
0x5e: {  	[sflag:s0] =	ssyncadd.tile.s32 @!p0 $0x1;
	_ =	shalt  }
.Lfunc_end2:
_tile_overlayer_lowered:
.L_overlay_start_2:
0x5f: {  	(tag) =	ssettag $0x2  }
0x60: {  	s0 =	rddreg [dreg:$0x0];
	s2 =	stileid.u32  }
0x61: {  	s1 =	rddreg [dreg:$0x1];
	p0 =	sne.s32 s2, $0x0  }
0x62: {  	s3 =	rddreg [dreg:$0x2];
	[bflag:$0x3] =	sbarrier.arrive $0xFFFF;
	s2 =	simm.s32 @!p0 $0x1C03  }
0x63: {  	[timem:s3], [sflag:s2] =	dma.local @!p0 [hbm:s0], s1  }
0x64: {  	s0 =	simm.s32 @!p0 $0x3  }
0x65: {  	_ =	swait.ge @!p0 [sflag:s0], s1  }
0x66: {  	s1 =	ssub.s32 @!p0 $0x0, s1;
	[sflag:s0] =	ssyncset.done @!p0 $0x0  }
0x67: {  	[sflag:s0] =	ssyncadd.s32 @!p0 s1  }
0x68: {  	[bflag:$0x3] =	sbarrier.arrive $0xFFFF  }
0x69: {  	_ =	shalt  }

</sc_bundles>
